<compile_context>
chip_gen: v7x
topology: tpu7x:2x2x1
jax: 0.10.2.dev20260603
libtpu: 0.0.44.dev20260713+nightly
codegen_flags: <defaults>
</compile_context>

<pallas_src>
import functools

import jax
import jax.numpy as jnp
from jax import lax
from jax.experimental import pallas as pl
from jax.experimental.pallas import tpu as pltpu
from jax.experimental.pallas import tpu_sc as plsc

B = 320000
D = 128
NC = 2
NS = 16
NW = NC * NS
BPW = B // NW
C = 200
NCHUNK = BPW // C
L = 16


def _sc_kernel(team_hbm, expert_hbm, ti_hbm, ei_hbm, out_hbm,
               ti_all, ei_all, trows, erows, obuf, pbuf, st, se, so):

    wid = lax.axis_index("s") * NC + lax.axis_index("c")
    base0 = wid * BPW
    iota_sc = lax.broadcasted_iota(jnp.int32, (L,), 0) * L

    pltpu.async_copy(ti_hbm.at[pl.ds(base0, BPW)], ti_all, st)
    pltpu.async_copy(ei_hbm.at[pl.ds(base0, BPW)], ei_all, se)
    pltpu.make_async_copy(ti_hbm.at[pl.ds(base0, BPW)], ti_all, st).wait()
    pltpu.make_async_copy(ei_hbm.at[pl.ds(base0, BPW)], ei_all, se).wait()
    pltpu.async_copy(team_hbm.at[ti_all.at[pl.ds(0, C)]], trows.at[0], st)
    pltpu.async_copy(expert_hbm.at[ei_all.at[pl.ds(0, C)]], erows.at[0], se)

    def chunk_body(i, j):
        pltpu.make_async_copy(team_hbm.at[pl.ds(0, C)], trows.at[j], st).wait()
        pltpu.make_async_copy(expert_hbm.at[pl.ds(0, C)], erows.at[j], se).wait()

        @pl.when(i + 1 < NCHUNK)
        def _prefetch():
            nxt = (i + 1) * C
            pltpu.async_copy(team_hbm.at[ti_all.at[pl.ds(nxt, C)]],
                             trows.at[1 - j], st)
            pltpu.async_copy(expert_hbm.at[ei_all.at[pl.ds(nxt, C)]],
                             erows.at[1 - j], se)

        _edge_dots(trows.at[j], erows.at[j], pbuf)

        @pl.when(i >= 1)
        def _drain_out():
            pltpu.make_async_copy(obuf, out_hbm.at[pl.ds(0, C)], so).wait()

        _group_sums(pbuf, obuf, iota_sc)
        pltpu.async_copy(obuf, out_hbm.at[pl.ds(base0 + i * C, C)], so)
        return 1 - j

    lax.fori_loop(0, NCHUNK, chunk_body, 0)
    pltpu.make_async_copy(obuf, out_hbm.at[pl.ds(0, C)], so).wait()


def _edge_dots(tr, er, pbuf):
    @plsc.parallel_loop(0, C, 1, unroll=8)
    def _edges(el):
        acc = tr[el, pl.ds(0, L)] * er[el, pl.ds(0, L)]
        for f in range(1, D // L):
            acc = acc + tr[el, pl.ds(f * L, L)] * er[el, pl.ds(f * L, L)]
        pbuf[pl.ds(el * L, L)] = acc


def _group_sums(pbuf, oref, iota_sc):
    starts = list(range(0, C - L + 1, L))
    if C % L:
        starts.append(C - L)
    for s in starts:
        gbase = s * L
        tot = plsc.load_gather(pbuf, [iota_sc + gbase])
        for l in range(1, L):
            tot = tot + plsc.load_gather(pbuf, [iota_sc + (gbase + l)])
        oref[pl.ds(s, L)] = tot


@jax.jit
def _run(x_expert, x_team, team_idx, expert_idx):
    mesh = plsc.VectorSubcoreMesh(core_axis_name="c", subcore_axis_name="s")
    k = functools.partial(
        pl.kernel,
        out_type=jax.ShapeDtypeStruct((B,), jnp.float32),
        mesh=mesh,
        compiler_params=pltpu.CompilerParams(needs_layout_passes=False),
        scratch_types=[
            pltpu.VMEM((BPW,), jnp.int32),
            pltpu.VMEM((BPW,), jnp.int32),
            pltpu.VMEM((2, C, D), jnp.float32),
            pltpu.VMEM((2, C, D), jnp.float32),
            pltpu.VMEM((C,), jnp.float32),
            pltpu.VMEM((C * L,), jnp.float32),
            pltpu.SemaphoreType.DMA,
            pltpu.SemaphoreType.DMA,
            pltpu.SemaphoreType.DMA,
        ],
    )(_sc_kernel)
    return k(x_team, x_expert, team_idx, expert_idx)


def kernel(x_expert, x_team, edge_label_index_team_experts):
    idx = edge_label_index_team_experts.astype(jnp.int32)
    return _run(x_expert, x_team, idx[0], idx[1])

# --- scband reference (transcript-rebuilt; emitter-appended) ---
"""Pipeline reference for scband-classifier-52080773431518 (READ-ONLY COPY).

The authoritative reference and input builder live on the scoring server;
editing this copy changes nothing except your own understanding.
"""

import jax, jax.numpy as jnp
import numpy as np

def setup_inputs(seed: int = 0) -> dict:
    key = jax.random.key(seed)
    k1, k2, k3 = jax.random.split(key, 3)
    x_expert = jax.random.normal(k1, (10000, 128), dtype=jnp.float32)
    x_team = jax.random.normal(k2, (10000, 128), dtype=jnp.float32)
    edge_label_index_team_experts = jax.random.randint(k3, (2, 320000), 0, 10000, dtype=jnp.int64)
    return {"x_expert": x_expert, "x_team": x_team, "edge_label_index_team_experts": edge_label_index_team_experts}

def reference(x_expert, x_team, edge_label_index_team_experts):
    edge_feat_team = jnp.take(x_team, edge_label_index_team_experts[0], axis=0)
    edge_feat_expert = jnp.take(x_expert, edge_label_index_team_experts[1], axis=0)
    return (edge_feat_expert * edge_feat_team).sum(axis=-1)

if __name__ == "__main__":
    import jax
    _d = setup_inputs()
    print(jax.jit(kernel)(*tuple(_d.values())))

</pallas_src>

<mosaic_0001>
#map = affine_map<(d0, d1) -> (0, 0)>
#map1 = affine_map<(d0, d1) -> (0)>
module attributes {stable_mosaic.version = 14 : i64} {
  func.func @_sc_kernel(%arg0: i32, %arg1: i32, %arg2: memref<10000x128xf32, #tpu.memory_space<hbm>>, %arg3: memref<10000x128xf32, #tpu.memory_space<hbm>>, %arg4: memref<320000xi32, #tpu.memory_space<hbm>>, %arg5: memref<320000xi32, #tpu.memory_space<hbm>>, %arg6: memref<320000xf32, #tpu.memory_space<hbm>>, %arg7: memref<10000xi32, #tpu.memory_space<vmem>>, %arg8: memref<10000xi32, #tpu.memory_space<vmem>>, %arg9: memref<2x200x128xf32, #tpu.memory_space<vmem>>, %arg10: memref<2x200x128xf32, #tpu.memory_space<vmem>>, %arg11: memref<200xf32, #tpu.memory_space<vmem>>, %arg12: memref<3200xf32, #tpu.memory_space<vmem>>, %arg13: memref<!tpu.dma_semaphore, #tpu.memory_space<semaphore_mem>>, %arg14: memref<!tpu.dma_semaphore, #tpu.memory_space<semaphore_mem>>, %arg15: memref<!tpu.dma_semaphore, #tpu.memory_space<semaphore_mem>>) attributes {dimension_semantics = [#tpu.dimension_semantics<core_parallel>, #tpu.dimension_semantics<subcore_parallel>], iteration_bounds = array<i64: 2, 16>, scalar_prefetch = 0 : i64, scratch_operands = 9 : i64, tpu.core_type = #tpu.core_type<sc_vector_subcore>, window_params = [{transform_indices = #map}, {transform_indices = #map}, {transform_indices = #map1}, {transform_indices = #map1}, {transform_indices = #map1}]} {
    %mul3A = arith.constant 2 : i32
    %mul3A_0 = arith.muli %arg1, %mul3A : i32
    %add3A = arith.addi %mul3A_0, %arg0 : i32
    %mul3A_1 = arith.constant 10000 : i32
    %mul3A_2 = arith.muli %add3A, %mul3A_1 : i32
    %iota3A = tpu.iota {dimensions = array<i32: 0>} : vector<16xi32>
    %mul3A_3 = arith.constant 16 : i32
    %mul3A_4 = vector.broadcast %mul3A_3 : i32 to vector<16xi32>
    %mul3A_5 = arith.muli %iota3A, %mul3A_4 : vector<16xi32>
    %dma_start3A = tpu.memref_slice %arg4[%mul3A_2] : memref<320000xi32, #tpu.memory_space<hbm>> -> memref<10000xi32, #tpu.memory_space<hbm>>
    %dma_start3A_6 = tpu.memref_slice %arg4[%mul3A_2] : memref<320000xi32, #tpu.memory_space<hbm>> -> memref<10000xi32, #tpu.memory_space<hbm>>
    tpu.enqueue_dma source(%dma_start3A_6 : memref<10000xi32, #tpu.memory_space<hbm>>) target(%arg7 : memref<10000xi32, #tpu.memory_space<vmem>>) target_semaphore(%arg13 : memref<!tpu.dma_semaphore, #tpu.memory_space<semaphore_mem>>)
    %dma_start3A_7 = tpu.memref_slice %arg5[%mul3A_2] : memref<320000xi32, #tpu.memory_space<hbm>> -> memref<10000xi32, #tpu.memory_space<hbm>>
    %dma_start3A_8 = tpu.memref_slice %arg5[%mul3A_2] : memref<320000xi32, #tpu.memory_space<hbm>> -> memref<10000xi32, #tpu.memory_space<hbm>>
    tpu.enqueue_dma source(%dma_start3A_8 : memref<10000xi32, #tpu.memory_space<hbm>>) target(%arg8 : memref<10000xi32, #tpu.memory_space<vmem>>) target_semaphore(%arg14 : memref<!tpu.dma_semaphore, #tpu.memory_space<semaphore_mem>>)
    %dma_wait3A = tpu.memref_slice %arg4[%mul3A_2] : memref<320000xi32, #tpu.memory_space<hbm>> -> memref<10000xi32, #tpu.memory_space<hbm>>
    %dma_wait3A_9 = tpu.memref_slice %arg4[%mul3A_2] : memref<320000xi32, #tpu.memory_space<hbm>> -> memref<10000xi32, #tpu.memory_space<hbm>>
    tpu.wait_dma2 semaphore(%arg13 : memref<!tpu.dma_semaphore, #tpu.memory_space<semaphore_mem>>) src(%dma_wait3A_9 : memref<10000xi32, #tpu.memory_space<hbm>>) dst(%arg7 : memref<10000xi32, #tpu.memory_space<vmem>>)
    %dma_wait3A_10 = tpu.memref_slice %arg5[%mul3A_2] : memref<320000xi32, #tpu.memory_space<hbm>> -> memref<10000xi32, #tpu.memory_space<hbm>>
    %dma_wait3A_11 = tpu.memref_slice %arg5[%mul3A_2] : memref<320000xi32, #tpu.memory_space<hbm>> -> memref<10000xi32, #tpu.memory_space<hbm>>
    tpu.wait_dma2 semaphore(%arg14 : memref<!tpu.dma_semaphore, #tpu.memory_space<semaphore_mem>>) src(%dma_wait3A_11 : memref<10000xi32, #tpu.memory_space<hbm>>) dst(%arg8 : memref<10000xi32, #tpu.memory_space<vmem>>)
    %dma_start3A_12 = arith.constant 0 : i32
    %dma_start3A_13 = arith.constant 0 : i32
    %dma_start3A_14 = arith.constant 0 : i32
    %dma_start3A_15 = tpu.memref_slice %arg9[%dma_start3A_12, %dma_start3A_13, %dma_start3A_14] : memref<2x200x128xf32, #tpu.memory_space<vmem>> -> memref<1x200x128xf32, #tpu.memory_space<vmem>>
    %dma_start3A_16 = tpu.memref_squeeze %dma_start3A_15 : memref<1x200x128xf32, #tpu.memory_space<vmem>> -> memref<200x128xf32, #tpu.memory_space<vmem>>
    %dma_start3A_17 = arith.constant 0 : i32
    %dma_start3A_18 = tpu.memref_slice %arg7[%dma_start3A_17] : memref<10000xi32, #tpu.memory_space<vmem>> -> memref<200xi32, #tpu.memory_space<vmem>>
    %dma_start3A_19 = arith.constant 0 : i32
    %dma_start3A_20 = arith.constant 0 : i32
    %dma_start3A_21 = tpu.memref_slice %arg2[%dma_start3A_19, %dma_start3A_20] : memref<10000x128xf32, #tpu.memory_space<hbm>> -> memref<10000x128xf32, #tpu.memory_space<hbm>>
    tpu.enqueue_indirect_dma source(%dma_start3A_21 : memref<10000x128xf32, #tpu.memory_space<hbm>>) target(%dma_start3A_16 : memref<200x128xf32, #tpu.memory_space<vmem>>) offsets(%dma_start3A_18 : memref<200xi32, #tpu.memory_space<vmem>>) semaphore(%arg13 : memref<!tpu.dma_semaphore, #tpu.memory_space<semaphore_mem>>)
    %dma_start3A_22 = arith.constant 0 : i32
    %dma_start3A_23 = arith.constant 0 : i32
    %dma_start3A_24 = arith.constant 0 : i32
    %dma_start3A_25 = tpu.memref_slice %arg10[%dma_start3A_22, %dma_start3A_23, %dma_start3A_24] : memref<2x200x128xf32, #tpu.memory_space<vmem>> -> memref<1x200x128xf32, #tpu.memory_space<vmem>>
    %dma_start3A_26 = tpu.memref_squeeze %dma_start3A_25 : memref<1x200x128xf32, #tpu.memory_space<vmem>> -> memref<200x128xf32, #tpu.memory_space<vmem>>
    %dma_start3A_27 = arith.constant 0 : i32
    %dma_start3A_28 = tpu.memref_slice %arg8[%dma_start3A_27] : memref<10000xi32, #tpu.memory_space<vmem>> -> memref<200xi32, #tpu.memory_space<vmem>>
    %dma_start3A_29 = arith.constant 0 : i32
    %dma_start3A_30 = arith.constant 0 : i32
    %dma_start3A_31 = tpu.memref_slice %arg3[%dma_start3A_29, %dma_start3A_30] : memref<10000x128xf32, #tpu.memory_space<hbm>> -> memref<10000x128xf32, #tpu.memory_space<hbm>>
    tpu.enqueue_indirect_dma source(%dma_start3A_31 : memref<10000x128xf32, #tpu.memory_space<hbm>>) target(%dma_start3A_26 : memref<200x128xf32, #tpu.memory_space<vmem>>) offsets(%dma_start3A_28 : memref<200xi32, #tpu.memory_space<vmem>>) semaphore(%arg14 : memref<!tpu.dma_semaphore, #tpu.memory_space<semaphore_mem>>)
    %scan3A = arith.constant 0 : i32
    %scan3A_32 = arith.constant 0 : i32
    %scan3A_33 = arith.constant 50 : i32
    %scan3A_34 = arith.addi %scan3A_32, %scan3A_33 : i32
    %scan3A_35 = arith.constant 1 : i32
    %scan3A_36 = scf.for %scan3A_42 = %scan3A_32 to %scan3A_34 step %scan3A_35 iter_args(%scan3A_43 = %scan3A) -> (i32)  : i32 {
      %dma_wait3A_44 = arith.constant 0 : i32
      %dma_wait3A_45 = arith.constant 0 : i32
      %dma_wait3A_46 = tpu.memref_slice %arg9[%scan3A_43, %dma_wait3A_44, %dma_wait3A_45] : memref<2x200x128xf32, #tpu.memory_space<vmem>> -> memref<1x200x128xf32, #tpu.memory_space<vmem>>
      %dma_wait3A_47 = tpu.memref_squeeze %dma_wait3A_46 : memref<1x200x128xf32, #tpu.memory_space<vmem>> -> memref<200x128xf32, #tpu.memory_space<vmem>>
      %dma_wait3A_48 = arith.constant 0 : i32
      %dma_wait3A_49 = arith.constant 0 : i32
      %dma_wait3A_50 = tpu.memref_slice %arg2[%dma_wait3A_48, %dma_wait3A_49] : memref<10000x128xf32, #tpu.memory_space<hbm>> -> memref<200x128xf32, #tpu.memory_space<hbm>>
      %dma_wait3A_51 = arith.constant 0 : i32
      %dma_wait3A_52 = arith.constant 0 : i32
      %dma_wait3A_53 = tpu.memref_slice %arg9[%scan3A_43, %dma_wait3A_51, %dma_wait3A_52] : memref<2x200x128xf32, #tpu.memory_space<vmem>> -> memref<1x200x128xf32, #tpu.memory_space<vmem>>
      %dma_wait3A_54 = tpu.memref_squeeze %dma_wait3A_53 : memref<1x200x128xf32, #tpu.memory_space<vmem>> -> memref<200x128xf32, #tpu.memory_space<vmem>>
      %dma_wait3A_55 = arith.constant 0 : i32
      %dma_wait3A_56 = arith.constant 0 : i32
      %dma_wait3A_57 = tpu.memref_slice %arg2[%dma_wait3A_55, %dma_wait3A_56] : memref<10000x128xf32, #tpu.memory_space<hbm>> -> memref<200x128xf32, #tpu.memory_space<hbm>>
      tpu.wait_dma2 semaphore(%arg13 : memref<!tpu.dma_semaphore, #tpu.memory_space<semaphore_mem>>) src(%dma_wait3A_57 : memref<200x128xf32, #tpu.memory_space<hbm>>) dst(%dma_wait3A_54 : memref<200x128xf32, #tpu.memory_space<vmem>>)
      %dma_wait3A_58 = arith.constant 0 : i32
      %dma_wait3A_59 = arith.constant 0 : i32
      %dma_wait3A_60 = tpu.memref_slice %arg10[%scan3A_43, %dma_wait3A_58, %dma_wait3A_59] : memref<2x200x128xf32, #tpu.memory_space<vmem>> -> memref<1x200x128xf32, #tpu.memory_space<vmem>>
      %dma_wait3A_61 = tpu.memref_squeeze %dma_wait3A_60 : memref<1x200x128xf32, #tpu.memory_space<vmem>> -> memref<200x128xf32, #tpu.memory_space<vmem>>
      %dma_wait3A_62 = arith.constant 0 : i32
      %dma_wait3A_63 = arith.constant 0 : i32
      %dma_wait3A_64 = tpu.memref_slice %arg3[%dma_wait3A_62, %dma_wait3A_63] : memref<10000x128xf32, #tpu.memory_space<hbm>> -> memref<200x128xf32, #tpu.memory_space<hbm>>
      %dma_wait3A_65 = arith.constant 0 : i32
      %dma_wait3A_66 = arith.constant 0 : i32
      %dma_wait3A_67 = tpu.memref_slice %arg10[%scan3A_43, %dma_wait3A_65, %dma_wait3A_66] : memref<2x200x128xf32, #tpu.memory_space<vmem>> -> memref<1x200x128xf32, #tpu.memory_space<vmem>>
      %dma_wait3A_68 = tpu.memref_squeeze %dma_wait3A_67 : memref<1x200x128xf32, #tpu.memory_space<vmem>> -> memref<200x128xf32, #tpu.memory_space<vmem>>
      %dma_wait3A_69 = arith.constant 0 : i32
      %dma_wait3A_70 = arith.constant 0 : i32
      %dma_wait3A_71 = tpu.memref_slice %arg3[%dma_wait3A_69, %dma_wait3A_70] : memref<10000x128xf32, #tpu.memory_space<hbm>> -> memref<200x128xf32, #tpu.memory_space<hbm>>
      tpu.wait_dma2 semaphore(%arg14 : memref<!tpu.dma_semaphore, #tpu.memory_space<semaphore_mem>>) src(%dma_wait3A_71 : memref<200x128xf32, #tpu.memory_space<hbm>>) dst(%dma_wait3A_68 : memref<200x128xf32, #tpu.memory_space<vmem>>)
      %add3A_72 = arith.constant 1 : i32
      %add3A_73 = arith.addi %scan3A_42, %add3A_72 : i32
      %lt3A = arith.constant 50 : i32
      %lt3A_74 = arith.cmpi slt, %add3A_73, %lt3A : i32
      %convert_element_type3A = arith.extui %lt3A_74 : i1 to i32
      %cond3A = arith.constant 0 : i32
      %cond3A_75 = arith.cmpi ne, %convert_element_type3A, %cond3A : i32
      scf.if %cond3A_75 {
        %add3A_1139 = arith.constant 1 : i32
        %add3A_1140 = arith.addi %scan3A_42, %add3A_1139 : i32
        %mul3A_1141 = arith.constant 200 : i32
        %mul3A_1142 = arith.muli %add3A_1140, %mul3A_1141 : i32
        %sub3A_1143 = arith.constant 1 : i32
        %sub3A_1144 = arith.subi %sub3A_1143, %scan3A_43 : i32
        %dma_start3A_1145 = arith.constant 0 : i32
        %dma_start3A_1146 = arith.constant 0 : i32
        %dma_start3A_1147 = tpu.memref_slice %arg9[%sub3A_1144, %dma_start3A_1145, %dma_start3A_1146] : memref<2x200x128xf32, #tpu.memory_space<vmem>> -> memref<1x200x128xf32, #tpu.memory_space<vmem>>
        %dma_start3A_1148 = tpu.memref_squeeze %dma_start3A_1147 : memref<1x200x128xf32, #tpu.memory_space<vmem>> -> memref<200x128xf32, #tpu.memory_space<vmem>>
        %dma_start3A_1149 = tpu.memref_slice %arg7[%mul3A_1142] : memref<10000xi32, #tpu.memory_space<vmem>> -> memref<200xi32, #tpu.memory_space<vmem>>
        %dma_start3A_1150 = arith.constant 0 : i32
        %dma_start3A_1151 = arith.constant 0 : i32
        %dma_start3A_1152 = tpu.memref_slice %arg2[%dma_start3A_1150, %dma_start3A_1151] : memref<10000x128xf32, #tpu.memory_space<hbm>> -> memref<10000x128xf32, #tpu.memory_space<hbm>>
        tpu.enqueue_indirect_dma source(%dma_start3A_1152 : memref<10000x128xf32, #tpu.memory_space<hbm>>) target(%dma_start3A_1148 : memref<200x128xf32, #tpu.memory_space<vmem>>) offsets(%dma_start3A_1149 : memref<200xi32, #tpu.memory_space<vmem>>) semaphore(%arg13 : memref<!tpu.dma_semaphore, #tpu.memory_space<semaphore_mem>>)
        %sub3A_1153 = arith.constant 1 : i32
        %sub3A_1154 = arith.subi %sub3A_1153, %scan3A_43 : i32
        %dma_start3A_1155 = arith.constant 0 : i32
        %dma_start3A_1156 = arith.constant 0 : i32
        %dma_start3A_1157 = tpu.memref_slice %arg10[%sub3A_1154, %dma_start3A_1155, %dma_start3A_1156] : memref<2x200x128xf32, #tpu.memory_space<vmem>> -> memref<1x200x128xf32, #tpu.memory_space<vmem>>
        %dma_start3A_1158 = tpu.memref_squeeze %dma_start3A_1157 : memref<1x200x128xf32, #tpu.memory_space<vmem>> -> memref<200x128xf32, #tpu.memory_space<vmem>>
        %dma_start3A_1159 = tpu.memref_slice %arg8[%mul3A_1142] : memref<10000xi32, #tpu.memory_space<vmem>> -> memref<200xi32, #tpu.memory_space<vmem>>
        %dma_start3A_1160 = arith.constant 0 : i32
        %dma_start3A_1161 = arith.constant 0 : i32
        %dma_start3A_1162 = tpu.memref_slice %arg3[%dma_start3A_1160, %dma_start3A_1161] : memref<10000x128xf32, #tpu.memory_space<hbm>> -> memref<10000x128xf32, #tpu.memory_space<hbm>>
        tpu.enqueue_indirect_dma source(%dma_start3A_1162 : memref<10000x128xf32, #tpu.memory_space<hbm>>) target(%dma_start3A_1158 : memref<200x128xf32, #tpu.memory_space<vmem>>) offsets(%dma_start3A_1159 : memref<200xi32, #tpu.memory_space<vmem>>) semaphore(%arg14 : memref<!tpu.dma_semaphore, #tpu.memory_space<semaphore_mem>>)
      } else {
      }
      %parallel_loop3A = arith.constant 0 : i32
      %parallel_loop3A_76 = arith.constant 200 : i32
      %parallel_loop3A_77 = arith.constant 1 : i32
      scf.for %parallel_loop3A_1139 = %parallel_loop3A to %parallel_loop3A_76 step %parallel_loop3A_77  : i32 {
        %parallel_loop3A_1140 = arith.constant 0 : i32
        %parallel_loop3A_1141 = arith.constant 0 : i32
        %parallel_loop3A_1142 = tpu.memref_slice %arg9[%scan3A_43, %parallel_loop3A_1140, %parallel_loop3A_1141] : memref<2x200x128xf32, #tpu.memory_space<vmem>> -> memref<1x200x128xf32, #tpu.memory_space<vmem>>
        %parallel_loop3A_1143 = tpu.memref_squeeze %parallel_loop3A_1142 : memref<1x200x128xf32, #tpu.memory_space<vmem>> -> memref<200x128xf32, #tpu.memory_space<vmem>>
        %parallel_loop3A_1144 = arith.index_cast %parallel_loop3A_1139 : i32 to index
        %parallel_loop3A_1145 = arith.constant 0 : index
        %parallel_loop3A_1146 = tpu.vector_load %parallel_loop3A_1143[%parallel_loop3A_1144, %parallel_loop3A_1145] {strides = array<i32>} : memref<200x128xf32, #tpu.memory_space<vmem>>, vector<16xf32>,
        %parallel_loop3A_1147 = arith.constant 0 : i32
        %parallel_loop3A_1148 = arith.constant 0 : i32
        %parallel_loop3A_1149 = tpu.memref_slice %arg10[%scan3A_43, %parallel_loop3A_1147, %parallel_loop3A_1148] : memref<2x200x128xf32, #tpu.memory_space<vmem>> -> memref<1x200x128xf32, #tpu.memory_space<vmem>>
        %parallel_loop3A_1150 = tpu.memref_squeeze %parallel_loop3A_1149 : memref<1x200x128xf32, #tpu.memory_space<vmem>> -> memref<200x128xf32, #tpu.memory_space<vmem>>
        %parallel_loop3A_1151 = arith.index_cast %parallel_loop3A_1139 : i32 to index
        %parallel_loop3A_1152 = arith.constant 0 : index
        %parallel_loop3A_1153 = tpu.vector_load %parallel_loop3A_1150[%parallel_loop3A_1151, %parallel_loop3A_1152] {strides = array<i32>} : memref<200x128xf32, #tpu.memory_space<vmem>>, vector<16xf32>,
        %parallel_loop3A_1154 = arith.mulf %parallel_loop3A_1146, %parallel_loop3A_1153 : vector<16xf32>
        %parallel_loop3A_1155 = arith.constant 0 : i32
        %parallel_loop3A_1156 = arith.constant 0 : i32
        %parallel_loop3A_1157 = tpu.memref_slice %arg9[%scan3A_43, %parallel_loop3A_1155, %parallel_loop3A_1156] : memref<2x200x128xf32, #tpu.memory_space<vmem>> -> memref<1x200x128xf32, #tpu.memory_space<vmem>>
        %parallel_loop3A_1158 = tpu.memref_squeeze %parallel_loop3A_1157 : memref<1x200x128xf32, #tpu.memory_space<vmem>> -> memref<200x128xf32, #tpu.memory_space<vmem>>
        %parallel_loop3A_1159 = arith.index_cast %parallel_loop3A_1139 : i32 to index
        %parallel_loop3A_1160 = arith.constant 16 : index
        %parallel_loop3A_1161 = tpu.vector_load %parallel_loop3A_1158[%parallel_loop3A_1159, %parallel_loop3A_1160] {strides = array<i32>} : memref<200x128xf32, #tpu.memory_space<vmem>>, vector<16xf32>,
        %parallel_loop3A_1162 = arith.constant 0 : i32
        %parallel_loop3A_1163 = arith.constant 0 : i32
        %parallel_loop3A_1164 = tpu.memref_slice %arg10[%scan3A_43, %parallel_loop3A_1162, %parallel_loop3A_1163] : memref<2x200x128xf32, #tpu.memory_space<vmem>> -> memref<1x200x128xf32, #tpu.memory_space<vmem>>
        %parallel_loop3A_1165 = tpu.memref_squeeze %parallel_loop3A_1164 : memref<1x200x128xf32, #tpu.memory_space<vmem>> -> memref<200x128xf32, #tpu.memory_space<vmem>>
        %parallel_loop3A_1166 = arith.index_cast %parallel_loop3A_1139 : i32 to index
        %parallel_loop3A_1167 = arith.constant 16 : index
        %parallel_loop3A_1168 = tpu.vector_load %parallel_loop3A_1165[%parallel_loop3A_1166, %parallel_loop3A_1167] {strides = array<i32>} : memref<200x128xf32, #tpu.memory_space<vmem>>, vector<16xf32>,
        %parallel_loop3A_1169 = arith.mulf %parallel_loop3A_1161, %parallel_loop3A_1168 : vector<16xf32>
        %parallel_loop3A_1170 = arith.addf %parallel_loop3A_1154, %parallel_loop3A_1169 : vector<16xf32>
        %parallel_loop3A_1171 = arith.constant 0 : i32
        %parallel_loop3A_1172 = arith.constant 0 : i32
        %parallel_loop3A_1173 = tpu.memref_slice %arg9[%scan3A_43, %parallel_loop3A_1171, %parallel_loop3A_1172] : memref<2x200x128xf32, #tpu.memory_space<vmem>> -> memref<1x200x128xf32, #tpu.memory_space<vmem>>
        %parallel_loop3A_1174 = tpu.memref_squeeze %parallel_loop3A_1173 : memref<1x200x128xf32, #tpu.memory_space<vmem>> -> memref<200x128xf32, #tpu.memory_space<vmem>>
        %parallel_loop3A_1175 = arith.index_cast %parallel_loop3A_1139 : i32 to index
        %parallel_loop3A_1176 = arith.constant 32 : index
        %parallel_loop3A_1177 = tpu.vector_load %parallel_loop3A_1174[%parallel_loop3A_1175, %parallel_loop3A_1176] {strides = array<i32>} : memref<200x128xf32, #tpu.memory_space<vmem>>, vector<16xf32>,
        %parallel_loop3A_1178 = arith.constant 0 : i32
        %parallel_loop3A_1179 = arith.constant 0 : i32
        %parallel_loop3A_1180 = tpu.memref_slice %arg10[%scan3A_43, %parallel_loop3A_1178, %parallel_loop3A_1179] : memref<2x200x128xf32, #tpu.memory_space<vmem>> -> memref<1x200x128xf32, #tpu.memory_space<vmem>>
        %parallel_loop3A_1181 = tpu.memref_squeeze %parallel_loop3A_1180 : memref<1x200x128xf32, #tpu.memory_space<vmem>> -> memref<200x128xf32, #tpu.memory_space<vmem>>
        %parallel_loop3A_1182 = arith.index_cast %parallel_loop3A_1139 : i32 to index
        %parallel_loop3A_1183 = arith.constant 32 : index
        %parallel_loop3A_1184 = tpu.vector_load %parallel_loop3A_1181[%parallel_loop3A_1182, %parallel_loop3A_1183] {strides = array<i32>} : memref<200x128xf32, #tpu.memory_space<vmem>>, vector<16xf32>,
        %parallel_loop3A_1185 = arith.mulf %parallel_loop3A_1177, %parallel_loop3A_1184 : vector<16xf32>
        %parallel_loop3A_1186 = arith.addf %parallel_loop3A_1170, %parallel_loop3A_1185 : vector<16xf32>
        %parallel_loop3A_1187 = arith.constant 0 : i32
        %parallel_loop3A_1188 = arith.constant 0 : i32
        %parallel_loop3A_1189 = tpu.memref_slice %arg9[%scan3A_43, %parallel_loop3A_1187, %parallel_loop3A_1188] : memref<2x200x128xf32, #tpu.memory_space<vmem>> -> memref<1x200x128xf32, #tpu.memory_space<vmem>>
        %parallel_loop3A_1190 = tpu.memref_squeeze %parallel_loop3A_1189 : memref<1x200x128xf32, #tpu.memory_space<vmem>> -> memref<200x128xf32, #tpu.memory_space<vmem>>
        %parallel_loop3A_1191 = arith.index_cast %parallel_loop3A_1139 : i32 to index
        %parallel_loop3A_1192 = arith.constant 48 : index
        %parallel_loop3A_1193 = tpu.vector_load %parallel_loop3A_1190[%parallel_loop3A_1191, %parallel_loop3A_1192] {strides = array<i32>} : memref<200x128xf32, #tpu.memory_space<vmem>>, vector<16xf32>,
        %parallel_loop3A_1194 = arith.constant 0 : i32
        %parallel_loop3A_1195 = arith.constant 0 : i32
        %parallel_loop3A_1196 = tpu.memref_slice %arg10[%scan3A_43, %parallel_loop3A_1194, %parallel_loop3A_1195] : memref<2x200x128xf32, #tpu.memory_space<vmem>> -> memref<1x200x128xf32, #tpu.memory_space<vmem>>
        %parallel_loop3A_1197 = tpu.memref_squeeze %parallel_loop3A_1196 : memref<1x200x128xf32, #tpu.memory_space<vmem>> -> memref<200x128xf32, #tpu.memory_space<vmem>>
        %parallel_loop3A_1198 = arith.index_cast %parallel_loop3A_1139 : i32 to index
        %parallel_loop3A_1199 = arith.constant 48 : index
        %parallel_loop3A_1200 = tpu.vector_load %parallel_loop3A_1197[%parallel_loop3A_1198, %parallel_loop3A_1199] {strides = array<i32>} : memref<200x128xf32, #tpu.memory_space<vmem>>, vector<16xf32>,
        %parallel_loop3A_1201 = arith.mulf %parallel_loop3A_1193, %parallel_loop3A_1200 : vector<16xf32>
        %parallel_loop3A_1202 = arith.addf %parallel_loop3A_1186, %parallel_loop3A_1201 : vector<16xf32>
        %parallel_loop3A_1203 = arith.constant 0 : i32
        %parallel_loop3A_1204 = arith.constant 0 : i32
        %parallel_loop3A_1205 = tpu.memref_slice %arg9[%scan3A_43, %parallel_loop3A_1203, %parallel_loop3A_1204] : memref<2x200x128xf32, #tpu.memory_space<vmem>> -> memref<1x200x128xf32, #tpu.memory_space<vmem>>
        %parallel_loop3A_1206 = tpu.memref_squeeze %parallel_loop3A_1205 : memref<1x200x128xf32, #tpu.memory_space<vmem>> -> memref<200x128xf32, #tpu.memory_space<vmem>>
        %parallel_loop3A_1207 = arith.index_cast %parallel_loop3A_1139 : i32 to index
        %parallel_loop3A_1208 = arith.constant 64 : index
        %parallel_loop3A_1209 = tpu.vector_load %parallel_loop3A_1206[%parallel_loop3A_1207, %parallel_loop3A_1208] {strides = array<i32>} : memref<200x128xf32, #tpu.memory_space<vmem>>, vector<16xf32>,
        %parallel_loop3A_1210 = arith.constant 0 : i32
        %parallel_loop3A_1211 = arith.constant 0 : i32
        %parallel_loop3A_1212 = tpu.memref_slice %arg10[%scan3A_43, %parallel_loop3A_1210, %parallel_loop3A_1211] : memref<2x200x128xf32, #tpu.memory_space<vmem>> -> memref<1x200x128xf32, #tpu.memory_space<vmem>>
        %parallel_loop3A_1213 = tpu.memref_squeeze %parallel_loop3A_1212 : memref<1x200x128xf32, #tpu.memory_space<vmem>> -> memref<200x128xf32, #tpu.memory_space<vmem>>
        %parallel_loop3A_1214 = arith.index_cast %parallel_loop3A_1139 : i32 to index
        %parallel_loop3A_1215 = arith.constant 64 : index
        %parallel_loop3A_1216 = tpu.vector_load %parallel_loop3A_1213[%parallel_loop3A_1214, %parallel_loop3A_1215] {strides = array<i32>} : memref<200x128xf32, #tpu.memory_space<vmem>>, vector<16xf32>,
        %parallel_loop3A_1217 = arith.mulf %parallel_loop3A_1209, %parallel_loop3A_1216 : vector<16xf32>
        %parallel_loop3A_1218 = arith.addf %parallel_loop3A_1202, %parallel_loop3A_1217 : vector<16xf32>
        %parallel_loop3A_1219 = arith.constant 0 : i32
        %parallel_loop3A_1220 = arith.constant 0 : i32
        %parallel_loop3A_1221 = tpu.memref_slice %arg9[%scan3A_43, %parallel_loop3A_1219, %parallel_loop3A_1220] : memref<2x200x128xf32, #tpu.memory_space<vmem>> -> memref<1x200x128xf32, #tpu.memory_space<vmem>>
        %parallel_loop3A_1222 = tpu.memref_squeeze %parallel_loop3A_1221 : memref<1x200x128xf32, #tpu.memory_space<vmem>> -> memref<200x128xf32, #tpu.memory_space<vmem>>
        %parallel_loop3A_1223 = arith.index_cast %parallel_loop3A_1139 : i32 to index
        %parallel_loop3A_1224 = arith.constant 80 : index
        %parallel_loop3A_1225 = tpu.vector_load %parallel_loop3A_1222[%parallel_loop3A_1223, %parallel_loop3A_1224] {strides = array<i32>} : memref<200x128xf32, #tpu.memory_space<vmem>>, vector<16xf32>,
        %parallel_loop3A_1226 = arith.constant 0 : i32
        %parallel_loop3A_1227 = arith.constant 0 : i32
        %parallel_loop3A_1228 = tpu.memref_slice %arg10[%scan3A_43, %parallel_loop3A_1226, %parallel_loop3A_1227] : memref<2x200x128xf32, #tpu.memory_space<vmem>> -> memref<1x200x128xf32, #tpu.memory_space<vmem>>
        %parallel_loop3A_1229 = tpu.memref_squeeze %parallel_loop3A_1228 : memref<1x200x128xf32, #tpu.memory_space<vmem>> -> memref<200x128xf32, #tpu.memory_space<vmem>>
        %parallel_loop3A_1230 = arith.index_cast %parallel_loop3A_1139 : i32 to index
        %parallel_loop3A_1231 = arith.constant 80 : index
        %parallel_loop3A_1232 = tpu.vector_load %parallel_loop3A_1229[%parallel_loop3A_1230, %parallel_loop3A_1231] {strides = array<i32>} : memref<200x128xf32, #tpu.memory_space<vmem>>, vector<16xf32>,
        %parallel_loop3A_1233 = arith.mulf %parallel_loop3A_1225, %parallel_loop3A_1232 : vector<16xf32>
        %parallel_loop3A_1234 = arith.addf %parallel_loop3A_1218, %parallel_loop3A_1233 : vector<16xf32>
        %parallel_loop3A_1235 = arith.constant 0 : i32
        %parallel_loop3A_1236 = arith.constant 0 : i32
        %parallel_loop3A_1237 = tpu.memref_slice %arg9[%scan3A_43, %parallel_loop3A_1235, %parallel_loop3A_1236] : memref<2x200x128xf32, #tpu.memory_space<vmem>> -> memref<1x200x128xf32, #tpu.memory_space<vmem>>
        %parallel_loop3A_1238 = tpu.memref_squeeze %parallel_loop3A_1237 : memref<1x200x128xf32, #tpu.memory_space<vmem>> -> memref<200x128xf32, #tpu.memory_space<vmem>>
        %parallel_loop3A_1239 = arith.index_cast %parallel_loop3A_1139 : i32 to index
        %parallel_loop3A_1240 = arith.constant 96 : index
        %parallel_loop3A_1241 = tpu.vector_load %parallel_loop3A_1238[%parallel_loop3A_1239, %parallel_loop3A_1240] {strides = array<i32>} : memref<200x128xf32, #tpu.memory_space<vmem>>, vector<16xf32>,
        %parallel_loop3A_1242 = arith.constant 0 : i32
        %parallel_loop3A_1243 = arith.constant 0 : i32
        %parallel_loop3A_1244 = tpu.memref_slice %arg10[%scan3A_43, %parallel_loop3A_1242, %parallel_loop3A_1243] : memref<2x200x128xf32, #tpu.memory_space<vmem>> -> memref<1x200x128xf32, #tpu.memory_space<vmem>>
        %parallel_loop3A_1245 = tpu.memref_squeeze %parallel_loop3A_1244 : memref<1x200x128xf32, #tpu.memory_space<vmem>> -> memref<200x128xf32, #tpu.memory_space<vmem>>
        %parallel_loop3A_1246 = arith.index_cast %parallel_loop3A_1139 : i32 to index
        %parallel_loop3A_1247 = arith.constant 96 : index
        %parallel_loop3A_1248 = tpu.vector_load %parallel_loop3A_1245[%parallel_loop3A_1246, %parallel_loop3A_1247] {strides = array<i32>} : memref<200x128xf32, #tpu.memory_space<vmem>>, vector<16xf32>,
        %parallel_loop3A_1249 = arith.mulf %parallel_loop3A_1241, %parallel_loop3A_1248 : vector<16xf32>
        %parallel_loop3A_1250 = arith.addf %parallel_loop3A_1234, %parallel_loop3A_1249 : vector<16xf32>
        %parallel_loop3A_1251 = arith.constant 0 : i32
        %parallel_loop3A_1252 = arith.constant 0 : i32
        %parallel_loop3A_1253 = tpu.memref_slice %arg9[%scan3A_43, %parallel_loop3A_1251, %parallel_loop3A_1252] : memref<2x200x128xf32, #tpu.memory_space<vmem>> -> memref<1x200x128xf32, #tpu.memory_space<vmem>>
        %parallel_loop3A_1254 = tpu.memref_squeeze %parallel_loop3A_1253 : memref<1x200x128xf32, #tpu.memory_space<vmem>> -> memref<200x128xf32, #tpu.memory_space<vmem>>
        %parallel_loop3A_1255 = arith.index_cast %parallel_loop3A_1139 : i32 to index
        %parallel_loop3A_1256 = arith.constant 112 : index
        %parallel_loop3A_1257 = tpu.vector_load %parallel_loop3A_1254[%parallel_loop3A_1255, %parallel_loop3A_1256] {strides = array<i32>} : memref<200x128xf32, #tpu.memory_space<vmem>>, vector<16xf32>,
        %parallel_loop3A_1258 = arith.constant 0 : i32
        %parallel_loop3A_1259 = arith.constant 0 : i32
        %parallel_loop3A_1260 = tpu.memref_slice %arg10[%scan3A_43, %parallel_loop3A_1258, %parallel_loop3A_1259] : memref<2x200x128xf32, #tpu.memory_space<vmem>> -> memref<1x200x128xf32, #tpu.memory_space<vmem>>
        %parallel_loop3A_1261 = tpu.memref_squeeze %parallel_loop3A_1260 : memref<1x200x128xf32, #tpu.memory_space<vmem>> -> memref<200x128xf32, #tpu.memory_space<vmem>>
        %parallel_loop3A_1262 = arith.index_cast %parallel_loop3A_1139 : i32 to index
        %parallel_loop3A_1263 = arith.constant 112 : index
        %parallel_loop3A_1264 = tpu.vector_load %parallel_loop3A_1261[%parallel_loop3A_1262, %parallel_loop3A_1263] {strides = array<i32>} : memref<200x128xf32, #tpu.memory_space<vmem>>, vector<16xf32>,
        %parallel_loop3A_1265 = arith.mulf %parallel_loop3A_1257, %parallel_loop3A_1264 : vector<16xf32>
        %parallel_loop3A_1266 = arith.addf %parallel_loop3A_1250, %parallel_loop3A_1265 : vector<16xf32>
        %parallel_loop3A_1267 = arith.constant 16 : i32
        %parallel_loop3A_1268 = arith.muli %parallel_loop3A_1139, %parallel_loop3A_1267 : i32
        %parallel_loop3A_1269 = arith.index_cast %parallel_loop3A_1268 : i32 to index
        %parallel_loop3A_1270 = tpu.vector_load %arg12[%parallel_loop3A_1269] {strides = array<i32>} : memref<3200xf32, #tpu.memory_space<vmem>>, vector<16xf32>,
        tpu.vector_store %arg12[%parallel_loop3A_1269], %parallel_loop3A_1266 {strides = array<i32>} : memref<3200xf32, #tpu.memory_space<vmem>>, vector<16xf32>,
      } {sc.loop_unroll_factor = 8 : i64, sc.parallel_access}
      %ge3A = arith.constant 1 : i32
      %ge3A_78 = arith.cmpi sge, %scan3A_42, %ge3A : i32
      %convert_element_type3A_79 = arith.extui %ge3A_78 : i1 to i32
      %cond3A_80 = arith.constant 0 : i32
      %cond3A_81 = arith.cmpi ne, %convert_element_type3A_79, %cond3A_80 : i32
      scf.if %cond3A_81 {
        %dma_wait3A_1139 = arith.constant 0 : i32
        %dma_wait3A_1140 = tpu.memref_slice %arg6[%dma_wait3A_1139] : memref<320000xf32, #tpu.memory_space<hbm>> -> memref<200xf32, #tpu.memory_space<hbm>>
        %dma_wait3A_1141 = arith.constant 0 : i32
        %dma_wait3A_1142 = tpu.memref_slice %arg6[%dma_wait3A_1141] : memref<320000xf32, #tpu.memory_space<hbm>> -> memref<200xf32, #tpu.memory_space<hbm>>
        tpu.wait_dma2 semaphore(%arg15 : memref<!tpu.dma_semaphore, #tpu.memory_space<semaphore_mem>>) src(%arg11 : memref<200xf32, #tpu.memory_space<vmem>>) dst(%dma_wait3A_1142 : memref<200xf32, #tpu.memory_space<hbm>>)
      } else {
      }
      %add3A_82 = arith.constant 0 : i32
      %add3A_83 = vector.broadcast %add3A_82 : i32 to vector<16xi32>
      %add3A_84 = arith.addi %mul3A_5, %add3A_83 : vector<16xi32>
      %gather3A = tpu.vector_load_idx %arg12[%add3A_84] : memref<3200xf32, #tpu.memory_space<vmem>>[vector<16xi32>], vector<16xf32>,
      %add3A_85 = arith.constant 1 : i32
      %add3A_86 = vector.broadcast %add3A_85 : i32 to vector<16xi32>
      %add3A_87 = arith.addi %mul3A_5, %add3A_86 : vector<16xi32>
      %gather3A_88 = tpu.vector_load_idx %arg12[%add3A_87] : memref<3200xf32, #tpu.memory_space<vmem>>[vector<16xi32>], vector<16xf32>,
      %add3A_89 = arith.addf %gather3A, %gather3A_88 : vector<16xf32>
      %add3A_90 = arith.constant 2 : i32
      %add3A_91 = vector.broadcast %add3A_90 : i32 to vector<16xi32>
      %add3A_92 = arith.addi %mul3A_5, %add3A_91 : vector<16xi32>
      %gather3A_93 = tpu.vector_load_idx %arg12[%add3A_92] : memref<3200xf32, #tpu.memory_space<vmem>>[vector<16xi32>], vector<16xf32>,
      %add3A_94 = arith.addf %add3A_89, %gather3A_93 : vector<16xf32>
      %add3A_95 = arith.constant 3 : i32
      %add3A_96 = vector.broadcast %add3A_95 : i32 to vector<16xi32>
      %add3A_97 = arith.addi %mul3A_5, %add3A_96 : vector<16xi32>
      %gather3A_98 = tpu.vector_load_idx %arg12[%add3A_97] : memref<3200xf32, #tpu.memory_space<vmem>>[vector<16xi32>], vector<16xf32>,
      %add3A_99 = arith.addf %add3A_94, %gather3A_98 : vector<16xf32>
      %add3A_100 = arith.constant 4 : i32
      %add3A_101 = vector.broadcast %add3A_100 : i32 to vector<16xi32>
      %add3A_102 = arith.addi %mul3A_5, %add3A_101 : vector<16xi32>
      %gather3A_103 = tpu.vector_load_idx %arg12[%add3A_102] : memref<3200xf32, #tpu.memory_space<vmem>>[vector<16xi32>], vector<16xf32>,
      %add3A_104 = arith.addf %add3A_99, %gather3A_103 : vector<16xf32>
      %add3A_105 = arith.constant 5 : i32
      %add3A_106 = vector.broadcast %add3A_105 : i32 to vector<16xi32>
      %add3A_107 = arith.addi %mul3A_5, %add3A_106 : vector<16xi32>
      %gather3A_108 = tpu.vector_load_idx %arg12[%add3A_107] : memref<3200xf32, #tpu.memory_space<vmem>>[vector<16xi32>], vector<16xf32>,
      %add3A_109 = arith.addf %add3A_104, %gather3A_108 : vector<16xf32>
      %add3A_110 = arith.constant 6 : i32
      %add3A_111 = vector.broadcast %add3A_110 : i32 to vector<16xi32>
      %add3A_112 = arith.addi %mul3A_5, %add3A_111 : vector<16xi32>
      %gather3A_113 = tpu.vector_load_idx %arg12[%add3A_112] : memref<3200xf32, #tpu.memory_space<vmem>>[vector<16xi32>], vector<16xf32>,
      %add3A_114 = arith.addf %add3A_109, %gather3A_113 : vector<16xf32>
      %add3A_115 = arith.constant 7 : i32
      %add3A_116 = vector.broadcast %add3A_115 : i32 to vector<16xi32>
      %add3A_117 = arith.addi %mul3A_5, %add3A_116 : vector<16xi32>
      %gather3A_118 = tpu.vector_load_idx %arg12[%add3A_117] : memref<3200xf32, #tpu.memory_space<vmem>>[vector<16xi32>], vector<16xf32>,
      %add3A_119 = arith.addf %add3A_114, %gather3A_118 : vector<16xf32>
      %add3A_120 = arith.constant 8 : i32
      %add3A_121 = vector.broadcast %add3A_120 : i32 to vector<16xi32>
      %add3A_122 = arith.addi %mul3A_5, %add3A_121 : vector<16xi32>
      %gather3A_123 = tpu.vector_load_idx %arg12[%add3A_122] : memref<3200xf32, #tpu.memory_space<vmem>>[vector<16xi32>], vector<16xf32>,
      %add3A_124 = arith.addf %add3A_119, %gather3A_123 : vector<16xf32>
      %add3A_125 = arith.constant 9 : i32
      %add3A_126 = vector.broadcast %add3A_125 : i32 to vector<16xi32>
      %add3A_127 = arith.addi %mul3A_5, %add3A_126 : vector<16xi32>
      %gather3A_128 = tpu.vector_load_idx %arg12[%add3A_127] : memref<3200xf32, #tpu.memory_space<vmem>>[vector<16xi32>], vector<16xf32>,
      %add3A_129 = arith.addf %add3A_124, %gather3A_128 : vector<16xf32>
      %add3A_130 = arith.constant 10 : i32
      %add3A_131 = vector.broadcast %add3A_130 : i32 to vector<16xi32>
      %add3A_132 = arith.addi %mul3A_5, %add3A_131 : vector<16xi32>
      %gather3A_133 = tpu.vector_load_idx %arg12[%add3A_132] : memref<3200xf32, #tpu.memory_space<vmem>>[vector<16xi32>], vector<16xf32>,
      %add3A_134 = arith.addf %add3A_129, %gather3A_133 : vector<16xf32>
      %add3A_135 = arith.constant 11 : i32
      %add3A_136 = vector.broadcast %add3A_135 : i32 to vector<16xi32>
      %add3A_137 = arith.addi %mul3A_5, %add3A_136 : vector<16xi32>
      %gather3A_138 = tpu.vector_load_idx %arg12[%add3A_137] : memref<3200xf32, #tpu.memory_space<vmem>>[vector<16xi32>], vector<16xf32>,
      %add3A_139 = arith.addf %add3A_134, %gather3A_138 : vector<16xf32>
      %add3A_140 = arith.constant 12 : i32
      %add3A_141 = vector.broadcast %add3A_140 : i32 to vector<16xi32>
      %add3A_142 = arith.addi %mul3A_5, %add3A_141 : vector<16xi32>
      %gather3A_143 = tpu.vector_load_idx %arg12[%add3A_142] : memref<3200xf32, #tpu.memory_space<vmem>>[vector<16xi32>], vector<16xf32>,
      %add3A_144 = arith.addf %add3A_139, %gather3A_143 : vector<16xf32>
      %add3A_145 = arith.constant 13 : i32
      %add3A_146 = vector.broadcast %add3A_145 : i32 to vector<16xi32>
      %add3A_147 = arith.addi %mul3A_5, %add3A_146 : vector<16xi32>
      %gather3A_148 = tpu.vector_load_idx %arg12[%add3A_147] : memref<3200xf32, #tpu.memory_space<vmem>>[vector<16xi32>], vector<16xf32>,
      %add3A_149 = arith.addf %add3A_144, %gather3A_148 : vector<16xf32>
      %add3A_150 = arith.constant 14 : i32
      %add3A_151 = vector.broadcast %add3A_150 : i32 to vector<16xi32>
      %add3A_152 = arith.addi %mul3A_5, %add3A_151 : vector<16xi32>
      %gather3A_153 = tpu.vector_load_idx %arg12[%add3A_152] : memref<3200xf32, #tpu.memory_space<vmem>>[vector<16xi32>], vector<16xf32>,
      %add3A_154 = arith.addf %add3A_149, %gather3A_153 : vector<16xf32>
      %add3A_155 = arith.constant 15 : i32
      %add3A_156 = vector.broadcast %add3A_155 : i32 to vector<16xi32>
      %add3A_157 = arith.addi %mul3A_5, %add3A_156 : vector<16xi32>
      %gather3A_158 = tpu.vector_load_idx %arg12[%add3A_157] : memref<3200xf32, #tpu.memory_space<vmem>>[vector<16xi32>], vector<16xf32>,
      %add3A_159 = arith.addf %add3A_154, %gather3A_158 : vector<16xf32>
      %swap3A = arith.constant 0 : index
      %swap3A_160 = tpu.vector_load %arg11[%swap3A] {strides = array<i32>} : memref<200xf32, #tpu.memory_space<vmem>>, vector<16xf32>,
      tpu.vector_store %arg11[%swap3A], %add3A_159 {strides = array<i32>} : memref<200xf32, #tpu.memory_space<vmem>>, vector<16xf32>,
      %add3A_161 = arith.constant 256 : i32
      %add3A_162 = vector.broadcast %add3A_161 : i32 to vector<16xi32>
      %add3A_163 = arith.addi %mul3A_5, %add3A_162 : vector<16xi32>
      %gather3A_164 = tpu.vector_load_idx %arg12[%add3A_163] : memref<3200xf32, #tpu.memory_space<vmem>>[vector<16xi32>], vector<16xf32>,
      %add3A_165 = arith.constant 257 : i32
      %add3A_166 = vector.broadcast %add3A_165 : i32 to vector<16xi32>
      %add3A_167 = arith.addi %mul3A_5, %add3A_166 : vector<16xi32>
      %gather3A_168 = tpu.vector_load_idx %arg12[%add3A_167] : memref<3200xf32, #tpu.memory_space<vmem>>[vector<16xi32>], vector<16xf32>,
      %add3A_169 = arith.addf %gather3A_164, %gather3A_168 : vector<16xf32>
      %add3A_170 = arith.constant 258 : i32
      %add3A_171 = vector.broadcast %add3A_170 : i32 to vector<16xi32>
      %add3A_172 = arith.addi %mul3A_5, %add3A_171 : vector<16xi32>
      %gather3A_173 = tpu.vector_load_idx %arg12[%add3A_172] : memref<3200xf32, #tpu.memory_space<vmem>>[vector<16xi32>], vector<16xf32>,
      %add3A_174 = arith.addf %add3A_169, %gather3A_173 : vector<16xf32>
      %add3A_175 = arith.constant 259 : i32
      %add3A_176 = vector.broadcast %add3A_175 : i32 to vector<16xi32>
      %add3A_177 = arith.addi %mul3A_5, %add3A_176 : vector<16xi32>
      %gather3A_178 = tpu.vector_load_idx %arg12[%add3A_177] : memref<3200xf32, #tpu.memory_space<vmem>>[vector<16xi32>], vector<16xf32>,
      %add3A_179 = arith.addf %add3A_174, %gather3A_178 : vector<16xf32>
      %add3A_180 = arith.constant 260 : i32
      %add3A_181 = vector.broadcast %add3A_180 : i32 to vector<16xi32>
      %add3A_182 = arith.addi %mul3A_5, %add3A_181 : vector<16xi32>
      %gather3A_183 = tpu.vector_load_idx %arg12[%add3A_182] : memref<3200xf32, #tpu.memory_space<vmem>>[vector<16xi32>], vector<16xf32>,
      %add3A_184 = arith.addf %add3A_179, %gather3A_183 : vector<16xf32>
      %add3A_185 = arith.constant 261 : i32
      %add3A_186 = vector.broadcast %add3A_185 : i32 to vector<16xi32>
      %add3A_187 = arith.addi %mul3A_5, %add3A_186 : vector<16xi32>
      %gather3A_188 = tpu.vector_load_idx %arg12[%add3A_187] : memref<3200xf32, #tpu.memory_space<vmem>>[vector<16xi32>], vector<16xf32>,
      %add3A_189 = arith.addf %add3A_184, %gather3A_188 : vector<16xf32>
      %add3A_190 = arith.constant 262 : i32
      %add3A_191 = vector.broadcast %add3A_190 : i32 to vector<16xi32>
      %add3A_192 = arith.addi %mul3A_5, %add3A_191 : vector<16xi32>
      %gather3A_193 = tpu.vector_load_idx %arg12[%add3A_192] : memref<3200xf32, #tpu.memory_space<vmem>>[vector<16xi32>], vector<16xf32>,
      %add3A_194 = arith.addf %add3A_189, %gather3A_193 : vector<16xf32>
      %add3A_195 = arith.constant 263 : i32
      %add3A_196 = vector.broadcast %add3A_195 : i32 to vector<16xi32>
      %add3A_197 = arith.addi %mul3A_5, %add3A_196 : vector<16xi32>
      %gather3A_198 = tpu.vector_load_idx %arg12[%add3A_197] : memref<3200xf32, #tpu.memory_space<vmem>>[vector<16xi32>], vector<16xf32>,
      %add3A_199 = arith.addf %add3A_194, %gather3A_198 : vector<16xf32>
      %add3A_200 = arith.constant 264 : i32
      %add3A_201 = vector.broadcast %add3A_200 : i32 to vector<16xi32>
      %add3A_202 = arith.addi %mul3A_5, %add3A_201 : vector<16xi32>
      %gather3A_203 = tpu.vector_load_idx %arg12[%add3A_202] : memref<3200xf32, #tpu.memory_space<vmem>>[vector<16xi32>], vector<16xf32>,
      %add3A_204 = arith.addf %add3A_199, %gather3A_203 : vector<16xf32>
      %add3A_205 = arith.constant 265 : i32
      %add3A_206 = vector.broadcast %add3A_205 : i32 to vector<16xi32>
      %add3A_207 = arith.addi %mul3A_5, %add3A_206 : vector<16xi32>
      %gather3A_208 = tpu.vector_load_idx %arg12[%add3A_207] : memref<3200xf32, #tpu.memory_space<vmem>>[vector<16xi32>], vector<16xf32>,
      %add3A_209 = arith.addf %add3A_204, %gather3A_208 : vector<16xf32>
      %add3A_210 = arith.constant 266 : i32
      %add3A_211 = vector.broadcast %add3A_210 : i32 to vector<16xi32>
      %add3A_212 = arith.addi %mul3A_5, %add3A_211 : vector<16xi32>
      %gather3A_213 = tpu.vector_load_idx %arg12[%add3A_212] : memref<3200xf32, #tpu.memory_space<vmem>>[vector<16xi32>], vector<16xf32>,
      %add3A_214 = arith.addf %add3A_209, %gather3A_213 : vector<16xf32>
      %add3A_215 = arith.constant 267 : i32
      %add3A_216 = vector.broadcast %add3A_215 : i32 to vector<16xi32>
      %add3A_217 = arith.addi %mul3A_5, %add3A_216 : vector<16xi32>
      %gather3A_218 = tpu.vector_load_idx %arg12[%add3A_217] : memref<3200xf32, #tpu.memory_space<vmem>>[vector<16xi32>], vector<16xf32>,
      %add3A_219 = arith.addf %add3A_214, %gather3A_218 : vector<16xf32>
      %add3A_220 = arith.constant 268 : i32
      %add3A_221 = vector.broadcast %add3A_220 : i32 to vector<16xi32>
      %add3A_222 = arith.addi %mul3A_5, %add3A_221 : vector<16xi32>
      %gather3A_223 = tpu.vector_load_idx %arg12[%add3A_222] : memref<3200xf32, #tpu.memory_space<vmem>>[vector<16xi32>], vector<16xf32>,
      %add3A_224 = arith.addf %add3A_219, %gather3A_223 : vector<16xf32>
      %add3A_225 = arith.constant 269 : i32
      %add3A_226 = vector.broadcast %add3A_225 : i32 to vector<16xi32>
      %add3A_227 = arith.addi %mul3A_5, %add3A_226 : vector<16xi32>
      %gather3A_228 = tpu.vector_load_idx %arg12[%add3A_227] : memref<3200xf32, #tpu.memory_space<vmem>>[vector<16xi32>], vector<16xf32>,
      %add3A_229 = arith.addf %add3A_224, %gather3A_228 : vector<16xf32>
      %add3A_230 = arith.constant 270 : i32
      %add3A_231 = vector.broadcast %add3A_230 : i32 to vector<16xi32>
      %add3A_232 = arith.addi %mul3A_5, %add3A_231 : vector<16xi32>
      %gather3A_233 = tpu.vector_load_idx %arg12[%add3A_232] : memref<3200xf32, #tpu.memory_space<vmem>>[vector<16xi32>], vector<16xf32>,
      %add3A_234 = arith.addf %add3A_229, %gather3A_233 : vector<16xf32>
      %add3A_235 = arith.constant 271 : i32
      %add3A_236 = vector.broadcast %add3A_235 : i32 to vector<16xi32>
      %add3A_237 = arith.addi %mul3A_5, %add3A_236 : vector<16xi32>
      %gather3A_238 = tpu.vector_load_idx %arg12[%add3A_237] : memref<3200xf32, #tpu.memory_space<vmem>>[vector<16xi32>], vector<16xf32>,
      %add3A_239 = arith.addf %add3A_234, %gather3A_238 : vector<16xf32>
      %swap3A_240 = arith.constant 16 : index
      %swap3A_241 = tpu.vector_load %arg11[%swap3A_240] {strides = array<i32>} : memref<200xf32, #tpu.memory_space<vmem>>, vector<16xf32>,
      tpu.vector_store %arg11[%swap3A_240], %add3A_239 {strides = array<i32>} : memref<200xf32, #tpu.memory_space<vmem>>, vector<16xf32>,
      %add3A_242 = arith.constant 512 : i32
      %add3A_243 = vector.broadcast %add3A_242 : i32 to vector<16xi32>
      %add3A_244 = arith.addi %mul3A_5, %add3A_243 : vector<16xi32>
      %gather3A_245 = tpu.vector_load_idx %arg12[%add3A_244] : memref<3200xf32, #tpu.memory_space<vmem>>[vector<16xi32>], vector<16xf32>,
      %add3A_246 = arith.constant 513 : i32
      %add3A_247 = vector.broadcast %add3A_246 : i32 to vector<16xi32>
      %add3A_248 = arith.addi %mul3A_5, %add3A_247 : vector<16xi32>
      %gather3A_249 = tpu.vector_load_idx %arg12[%add3A_248] : memref<3200xf32, #tpu.memory_space<vmem>>[vector<16xi32>], vector<16xf32>,
      %add3A_250 = arith.addf %gather3A_245, %gather3A_249 : vector<16xf32>
      %add3A_251 = arith.constant 514 : i32
      %add3A_252 = vector.broadcast %add3A_251 : i32 to vector<16xi32>
      %add3A_253 = arith.addi %mul3A_5, %add3A_252 : vector<16xi32>
      %gather3A_254 = tpu.vector_load_idx %arg12[%add3A_253] : memref<3200xf32, #tpu.memory_space<vmem>>[vector<16xi32>], vector<16xf32>,
      %add3A_255 = arith.addf %add3A_250, %gather3A_254 : vector<16xf32>
      %add3A_256 = arith.constant 515 : i32
      %add3A_257 = vector.broadcast %add3A_256 : i32 to vector<16xi32>
      %add3A_258 = arith.addi %mul3A_5, %add3A_257 : vector<16xi32>
      %gather3A_259 = tpu.vector_load_idx %arg12[%add3A_258] : memref<3200xf32, #tpu.memory_space<vmem>>[vector<16xi32>], vector<16xf32>,
      %add3A_260 = arith.addf %add3A_255, %gather3A_259 : vector<16xf32>
      %add3A_261 = arith.constant 516 : i32
      %add3A_262 = vector.broadcast %add3A_261 : i32 to vector<16xi32>
      %add3A_263 = arith.addi %mul3A_5, %add3A_262 : vector<16xi32>
      %gather3A_264 = tpu.vector_load_idx %arg12[%add3A_263] : memref<3200xf32, #tpu.memory_space<vmem>>[vector<16xi32>], vector<16xf32>,
      %add3A_265 = arith.addf %add3A_260, %gather3A_264 : vector<16xf32>
      %add3A_266 = arith.constant 517 : i32
      %add3A_267 = vector.broadcast %add3A_266 : i32 to vector<16xi32>
      %add3A_268 = arith.addi %mul3A_5, %add3A_267 : vector<16xi32>
      %gather3A_269 = tpu.vector_load_idx %arg12[%add3A_268] : memref<3200xf32, #tpu.memory_space<vmem>>[vector<16xi32>], vector<16xf32>,
      %add3A_270 = arith.addf %add3A_265, %gather3A_269 : vector<16xf32>
      %add3A_271 = arith.constant 518 : i32
      %add3A_272 = vector.broadcast %add3A_271 : i32 to vector<16xi32>
      %add3A_273 = arith.addi %mul3A_5, %add3A_272 : vector<16xi32>
      %gather3A_274 = tpu.vector_load_idx %arg12[%add3A_273] : memref<3200xf32, #tpu.memory_space<vmem>>[vector<16xi32>], vector<16xf32>,
      %add3A_275 = arith.addf %add3A_270, %gather3A_274 : vector<16xf32>
      %add3A_276 = arith.constant 519 : i32
      %add3A_277 = vector.broadcast %add3A_276 : i32 to vector<16xi32>
      %add3A_278 = arith.addi %mul3A_5, %add3A_277 : vector<16xi32>
      %gather3A_279 = tpu.vector_load_idx %arg12[%add3A_278] : memref<3200xf32, #tpu.memory_space<vmem>>[vector<16xi32>], vector<16xf32>,
      %add3A_280 = arith.addf %add3A_275, %gather3A_279 : vector<16xf32>
      %add3A_281 = arith.constant 520 : i32
      %add3A_282 = vector.broadcast %add3A_281 : i32 to vector<16xi32>
      %add3A_283 = arith.addi %mul3A_5, %add3A_282 : vector<16xi32>
      %gather3A_284 = tpu.vector_load_idx %arg12[%add3A_283] : memref<3200xf32, #tpu.memory_space<vmem>>[vector<16xi32>], vector<16xf32>,
      %add3A_285 = arith.addf %add3A_280, %gather3A_284 : vector<16xf32>
      %add3A_286 = arith.constant 521 : i32
      %add3A_287 = vector.broadcast %add3A_286 : i32 to vector<16xi32>
      %add3A_288 = arith.addi %mul3A_5, %add3A_287 : vector<16xi32>
      %gather3A_289 = tpu.vector_load_idx %arg12[%add3A_288] : memref<3200xf32, #tpu.memory_space<vmem>>[vector<16xi32>], vector<16xf32>,
      %add3A_290 = arith.addf %add3A_285, %gather3A_289 : vector<16xf32>
      %add3A_291 = arith.constant 522 : i32
      %add3A_292 = vector.broadcast %add3A_291 : i32 to vector<16xi32>
      %add3A_293 = arith.addi %mul3A_5, %add3A_292 : vector<16xi32>
      %gather3A_294 = tpu.vector_load_idx %arg12[%add3A_293] : memref<3200xf32, #tpu.memory_space<vmem>>[vector<16xi32>], vector<16xf32>,
      %add3A_295 = arith.addf %add3A_290, %gather3A_294 : vector<16xf32>
      %add3A_296 = arith.constant 523 : i32
      %add3A_297 = vector.broadcast %add3A_296 : i32 to vector<16xi32>
      %add3A_298 = arith.addi %mul3A_5, %add3A_297 : vector<16xi32>
      %gather3A_299 = tpu.vector_load_idx %arg12[%add3A_298] : memref<3200xf32, #tpu.memory_space<vmem>>[vector<16xi32>], vector<16xf32>,
      %add3A_300 = arith.addf %add3A_295, %gather3A_299 : vector<16xf32>
      %add3A_301 = arith.constant 524 : i32
      %add3A_302 = vector.broadcast %add3A_301 : i32 to vector<16xi32>
      %add3A_303 = arith.addi %mul3A_5, %add3A_302 : vector<16xi32>
      %gather3A_304 = tpu.vector_load_idx %arg12[%add3A_303] : memref<3200xf32, #tpu.memory_space<vmem>>[vector<16xi32>], vector<16xf32>,
      %add3A_305 = arith.addf %add3A_300, %gather3A_304 : vector<16xf32>
      %add3A_306 = arith.constant 525 : i32
      %add3A_307 = vector.broadcast %add3A_306 : i32 to vector<16xi32>
      %add3A_308 = arith.addi %mul3A_5, %add3A_307 : vector<16xi32>
      %gather3A_309 = tpu.vector_load_idx %arg12[%add3A_308] : memref<3200xf32, #tpu.memory_space<vmem>>[vector<16xi32>], vector<16xf32>,
      %add3A_310 = arith.addf %add3A_305, %gather3A_309 : vector<16xf32>
      %add3A_311 = arith.constant 526 : i32
      %add3A_312 = vector.broadcast %add3A_311 : i32 to vector<16xi32>
      %add3A_313 = arith.addi %mul3A_5, %add3A_312 : vector<16xi32>
      %gather3A_314 = tpu.vector_load_idx %arg12[%add3A_313] : memref<3200xf32, #tpu.memory_space<vmem>>[vector<16xi32>], vector<16xf32>,
      %add3A_315 = arith.addf %add3A_310, %gather3A_314 : vector<16xf32>
      %add3A_316 = arith.constant 527 : i32
      %add3A_317 = vector.broadcast %add3A_316 : i32 to vector<16xi32>
      %add3A_318 = arith.addi %mul3A_5, %add3A_317 : vector<16xi32>
      %gather3A_319 = tpu.vector_load_idx %arg12[%add3A_318] : memref<3200xf32, #tpu.memory_space<vmem>>[vector<16xi32>], vector<16xf32>,
      %add3A_320 = arith.addf %add3A_315, %gather3A_319 : vector<16xf32>
      %swap3A_321 = arith.constant 32 : index
      %swap3A_322 = tpu.vector_load %arg11[%swap3A_321] {strides = array<i32>} : memref<200xf32, #tpu.memory_space<vmem>>, vector<16xf32>,
      tpu.vector_store %arg11[%swap3A_321], %add3A_320 {strides = array<i32>} : memref<200xf32, #tpu.memory_space<vmem>>, vector<16xf32>,
      %add3A_323 = arith.constant 768 : i32
      %add3A_324 = vector.broadcast %add3A_323 : i32 to vector<16xi32>
      %add3A_325 = arith.addi %mul3A_5, %add3A_324 : vector<16xi32>
      %gather3A_326 = tpu.vector_load_idx %arg12[%add3A_325] : memref<3200xf32, #tpu.memory_space<vmem>>[vector<16xi32>], vector<16xf32>,
      %add3A_327 = arith.constant 769 : i32
      %add3A_328 = vector.broadcast %add3A_327 : i32 to vector<16xi32>
      %add3A_329 = arith.addi %mul3A_5, %add3A_328 : vector<16xi32>
      %gather3A_330 = tpu.vector_load_idx %arg12[%add3A_329] : memref<3200xf32, #tpu.memory_space<vmem>>[vector<16xi32>], vector<16xf32>,
      %add3A_331 = arith.addf %gather3A_326, %gather3A_330 : vector<16xf32>
      %add3A_332 = arith.constant 770 : i32
      %add3A_333 = vector.broadcast %add3A_332 : i32 to vector<16xi32>
      %add3A_334 = arith.addi %mul3A_5, %add3A_333 : vector<16xi32>
      %gather3A_335 = tpu.vector_load_idx %arg12[%add3A_334] : memref<3200xf32, #tpu.memory_space<vmem>>[vector<16xi32>], vector<16xf32>,
      %add3A_336 = arith.addf %add3A_331, %gather3A_335 : vector<16xf32>
      %add3A_337 = arith.constant 771 : i32
      %add3A_338 = vector.broadcast %add3A_337 : i32 to vector<16xi32>
      %add3A_339 = arith.addi %mul3A_5, %add3A_338 : vector<16xi32>
      %gather3A_340 = tpu.vector_load_idx %arg12[%add3A_339] : memref<3200xf32, #tpu.memory_space<vmem>>[vector<16xi32>], vector<16xf32>,
      %add3A_341 = arith.addf %add3A_336, %gather3A_340 : vector<16xf32>
      %add3A_342 = arith.constant 772 : i32
      %add3A_343 = vector.broadcast %add3A_342 : i32 to vector<16xi32>
      %add3A_344 = arith.addi %mul3A_5, %add3A_343 : vector<16xi32>
      %gather3A_345 = tpu.vector_load_idx %arg12[%add3A_344] : memref<3200xf32, #tpu.memory_space<vmem>>[vector<16xi32>], vector<16xf32>,
      %add3A_346 = arith.addf %add3A_341, %gather3A_345 : vector<16xf32>
      %add3A_347 = arith.constant 773 : i32
      %add3A_348 = vector.broadcast %add3A_347 : i32 to vector<16xi32>
      %add3A_349 = arith.addi %mul3A_5, %add3A_348 : vector<16xi32>
      %gather3A_350 = tpu.vector_load_idx %arg12[%add3A_349] : memref<3200xf32, #tpu.memory_space<vmem>>[vector<16xi32>], vector<16xf32>,
      %add3A_351 = arith.addf %add3A_346, %gather3A_350 : vector<16xf32>
      %add3A_352 = arith.constant 774 : i32
      %add3A_353 = vector.broadcast %add3A_352 : i32 to vector<16xi32>
      %add3A_354 = arith.addi %mul3A_5, %add3A_353 : vector<16xi32>
      %gather3A_355 = tpu.vector_load_idx %arg12[%add3A_354] : memref<3200xf32, #tpu.memory_space<vmem>>[vector<16xi32>], vector<16xf32>,
      %add3A_356 = arith.addf %add3A_351, %gather3A_355 : vector<16xf32>
      %add3A_357 = arith.constant 775 : i32
      %add3A_358 = vector.broadcast %add3A_357 : i32 to vector<16xi32>
      %add3A_359 = arith.addi %mul3A_5, %add3A_358 : vector<16xi32>
      %gather3A_360 = tpu.vector_load_idx %arg12[%add3A_359] : memref<3200xf32, #tpu.memory_space<vmem>>[vector<16xi32>], vector<16xf32>,
      %add3A_361 = arith.addf %add3A_356, %gather3A_360 : vector<16xf32>
      %add3A_362 = arith.constant 776 : i32
      %add3A_363 = vector.broadcast %add3A_362 : i32 to vector<16xi32>
      %add3A_364 = arith.addi %mul3A_5, %add3A_363 : vector<16xi32>
      %gather3A_365 = tpu.vector_load_idx %arg12[%add3A_364] : memref<3200xf32, #tpu.memory_space<vmem>>[vector<16xi32>], vector<16xf32>,
      %add3A_366 = arith.addf %add3A_361, %gather3A_365 : vector<16xf32>
      %add3A_367 = arith.constant 777 : i32
      %add3A_368 = vector.broadcast %add3A_367 : i32 to vector<16xi32>
      %add3A_369 = arith.addi %mul3A_5, %add3A_368 : vector<16xi32>
      %gather3A_370 = tpu.vector_load_idx %arg12[%add3A_369] : memref<3200xf32, #tpu.memory_space<vmem>>[vector<16xi32>], vector<16xf32>,
      %add3A_371 = arith.addf %add3A_366, %gather3A_370 : vector<16xf32>
      %add3A_372 = arith.constant 778 : i32
      %add3A_373 = vector.broadcast %add3A_372 : i32 to vector<16xi32>
      %add3A_374 = arith.addi %mul3A_5, %add3A_373 : vector<16xi32>
      %gather3A_375 = tpu.vector_load_idx %arg12[%add3A_374] : memref<3200xf32, #tpu.memory_space<vmem>>[vector<16xi32>], vector<16xf32>,
      %add3A_376 = arith.addf %add3A_371, %gather3A_375 : vector<16xf32>
      %add3A_377 = arith.constant 779 : i32
      %add3A_378 = vector.broadcast %add3A_377 : i32 to vector<16xi32>
      %add3A_379 = arith.addi %mul3A_5, %add3A_378 : vector<16xi32>
      %gather3A_380 = tpu.vector_load_idx %arg12[%add3A_379] : memref<3200xf32, #tpu.memory_space<vmem>>[vector<16xi32>], vector<16xf32>,
      %add3A_381 = arith.addf %add3A_376, %gather3A_380 : vector<16xf32>
      %add3A_382 = arith.constant 780 : i32
      %add3A_383 = vector.broadcast %add3A_382 : i32 to vector<16xi32>
      %add3A_384 = arith.addi %mul3A_5, %add3A_383 : vector<16xi32>
      %gather3A_385 = tpu.vector_load_idx %arg12[%add3A_384] : memref<3200xf32, #tpu.memory_space<vmem>>[vector<16xi32>], vector<16xf32>,
      %add3A_386 = arith.addf %add3A_381, %gather3A_385 : vector<16xf32>
      %add3A_387 = arith.constant 781 : i32
      %add3A_388 = vector.broadcast %add3A_387 : i32 to vector<16xi32>
      %add3A_389 = arith.addi %mul3A_5, %add3A_388 : vector<16xi32>
      %gather3A_390 = tpu.vector_load_idx %arg12[%add3A_389] : memref<3200xf32, #tpu.memory_space<vmem>>[vector<16xi32>], vector<16xf32>,
      %add3A_391 = arith.addf %add3A_386, %gather3A_390 : vector<16xf32>
      %add3A_392 = arith.constant 782 : i32
      %add3A_393 = vector.broadcast %add3A_392 : i32 to vector<16xi32>
      %add3A_394 = arith.addi %mul3A_5, %add3A_393 : vector<16xi32>
      %gather3A_395 = tpu.vector_load_idx %arg12[%add3A_394] : memref<3200xf32, #tpu.memory_space<vmem>>[vector<16xi32>], vector<16xf32>,
      %add3A_396 = arith.addf %add3A_391, %gather3A_395 : vector<16xf32>
      %add3A_397 = arith.constant 783 : i32
      %add3A_398 = vector.broadcast %add3A_397 : i32 to vector<16xi32>
      %add3A_399 = arith.addi %mul3A_5, %add3A_398 : vector<16xi32>
      %gather3A_400 = tpu.vector_load_idx %arg12[%add3A_399] : memref<3200xf32, #tpu.memory_space<vmem>>[vector<16xi32>], vector<16xf32>,
      %add3A_401 = arith.addf %add3A_396, %gather3A_400 : vector<16xf32>
      %swap3A_402 = arith.constant 48 : index
      %swap3A_403 = tpu.vector_load %arg11[%swap3A_402] {strides = array<i32>} : memref<200xf32, #tpu.memory_space<vmem>>, vector<16xf32>,
      tpu.vector_store %arg11[%swap3A_402], %add3A_401 {strides = array<i32>} : memref<200xf32, #tpu.memory_space<vmem>>, vector<16xf32>,
      %add3A_404 = arith.constant 1024 : i32
      %add3A_405 = vector.broadcast %add3A_404 : i32 to vector<16xi32>
      %add3A_406 = arith.addi %mul3A_5, %add3A_405 : vector<16xi32>
      %gather3A_407 = tpu.vector_load_idx %arg12[%add3A_406] : memref<3200xf32, #tpu.memory_space<vmem>>[vector<16xi32>], vector<16xf32>,
      %add3A_408 = arith.constant 1025 : i32
      %add3A_409 = vector.broadcast %add3A_408 : i32 to vector<16xi32>
      %add3A_410 = arith.addi %mul3A_5, %add3A_409 : vector<16xi32>
      %gather3A_411 = tpu.vector_load_idx %arg12[%add3A_410] : memref<3200xf32, #tpu.memory_space<vmem>>[vector<16xi32>], vector<16xf32>,
      %add3A_412 = arith.addf %gather3A_407, %gather3A_411 : vector<16xf32>
      %add3A_413 = arith.constant 1026 : i32
      %add3A_414 = vector.broadcast %add3A_413 : i32 to vector<16xi32>
      %add3A_415 = arith.addi %mul3A_5, %add3A_414 : vector<16xi32>
      %gather3A_416 = tpu.vector_load_idx %arg12[%add3A_415] : memref<3200xf32, #tpu.memory_space<vmem>>[vector<16xi32>], vector<16xf32>,
      %add3A_417 = arith.addf %add3A_412, %gather3A_416 : vector<16xf32>
      %add3A_418 = arith.constant 1027 : i32
      %add3A_419 = vector.broadcast %add3A_418 : i32 to vector<16xi32>
      %add3A_420 = arith.addi %mul3A_5, %add3A_419 : vector<16xi32>
      %gather3A_421 = tpu.vector_load_idx %arg12[%add3A_420] : memref<3200xf32, #tpu.memory_space<vmem>>[vector<16xi32>], vector<16xf32>,
      %add3A_422 = arith.addf %add3A_417, %gather3A_421 : vector<16xf32>
      %add3A_423 = arith.constant 1028 : i32
      %add3A_424 = vector.broadcast %add3A_423 : i32 to vector<16xi32>
      %add3A_425 = arith.addi %mul3A_5, %add3A_424 : vector<16xi32>
      %gather3A_426 = tpu.vector_load_idx %arg12[%add3A_425] : memref<3200xf32, #tpu.memory_space<vmem>>[vector<16xi32>], vector<16xf32>,
      %add3A_427 = arith.addf %add3A_422, %gather3A_426 : vector<16xf32>
      %add3A_428 = arith.constant 1029 : i32
      %add3A_429 = vector.broadcast %add3A_428 : i32 to vector<16xi32>
      %add3A_430 = arith.addi %mul3A_5, %add3A_429 : vector<16xi32>
      %gather3A_431 = tpu.vector_load_idx %arg12[%add3A_430] : memref<3200xf32, #tpu.memory_space<vmem>>[vector<16xi32>], vector<16xf32>,
      %add3A_432 = arith.addf %add3A_427, %gather3A_431 : vector<16xf32>
      %add3A_433 = arith.constant 1030 : i32
      %add3A_434 = vector.broadcast %add3A_433 : i32 to vector<16xi32>
      %add3A_435 = arith.addi %mul3A_5, %add3A_434 : vector<16xi32>
      %gather3A_436 = tpu.vector_load_idx %arg12[%add3A_435] : memref<3200xf32, #tpu.memory_space<vmem>>[vector<16xi32>], vector<16xf32>,
      %add3A_437 = arith.addf %add3A_432, %gather3A_436 : vector<16xf32>
      %add3A_438 = arith.constant 1031 : i32
      %add3A_439 = vector.broadcast %add3A_438 : i32 to vector<16xi32>
      %add3A_440 = arith.addi %mul3A_5, %add3A_439 : vector<16xi32>
      %gather3A_441 = tpu.vector_load_idx %arg12[%add3A_440] : memref<3200xf32, #tpu.memory_space<vmem>>[vector<16xi32>], vector<16xf32>,
      %add3A_442 = arith.addf %add3A_437, %gather3A_441 : vector<16xf32>
      %add3A_443 = arith.constant 1032 : i32
      %add3A_444 = vector.broadcast %add3A_443 : i32 to vector<16xi32>
      %add3A_445 = arith.addi %mul3A_5, %add3A_444 : vector<16xi32>
      %gather3A_446 = tpu.vector_load_idx %arg12[%add3A_445] : memref<3200xf32, #tpu.memory_space<vmem>>[vector<16xi32>], vector<16xf32>,
      %add3A_447 = arith.addf %add3A_442, %gather3A_446 : vector<16xf32>
      %add3A_448 = arith.constant 1033 : i32
      %add3A_449 = vector.broadcast %add3A_448 : i32 to vector<16xi32>
      %add3A_450 = arith.addi %mul3A_5, %add3A_449 : vector<16xi32>
      %gather3A_451 = tpu.vector_load_idx %arg12[%add3A_450] : memref<3200xf32, #tpu.memory_space<vmem>>[vector<16xi32>], vector<16xf32>,
      %add3A_452 = arith.addf %add3A_447, %gather3A_451 : vector<16xf32>
      %add3A_453 = arith.constant 1034 : i32
      %add3A_454 = vector.broadcast %add3A_453 : i32 to vector<16xi32>
      %add3A_455 = arith.addi %mul3A_5, %add3A_454 : vector<16xi32>
      %gather3A_456 = tpu.vector_load_idx %arg12[%add3A_455] : memref<3200xf32, #tpu.memory_space<vmem>>[vector<16xi32>], vector<16xf32>,
      %add3A_457 = arith.addf %add3A_452, %gather3A_456 : vector<16xf32>
      %add3A_458 = arith.constant 1035 : i32
      %add3A_459 = vector.broadcast %add3A_458 : i32 to vector<16xi32>
      %add3A_460 = arith.addi %mul3A_5, %add3A_459 : vector<16xi32>
      %gather3A_461 = tpu.vector_load_idx %arg12[%add3A_460] : memref<3200xf32, #tpu.memory_space<vmem>>[vector<16xi32>], vector<16xf32>,
      %add3A_462 = arith.addf %add3A_457, %gather3A_461 : vector<16xf32>
      %add3A_463 = arith.constant 1036 : i32
      %add3A_464 = vector.broadcast %add3A_463 : i32 to vector<16xi32>
      %add3A_465 = arith.addi %mul3A_5, %add3A_464 : vector<16xi32>
      %gather3A_466 = tpu.vector_load_idx %arg12[%add3A_465] : memref<3200xf32, #tpu.memory_space<vmem>>[vector<16xi32>], vector<16xf32>,
      %add3A_467 = arith.addf %add3A_462, %gather3A_466 : vector<16xf32>
      %add3A_468 = arith.constant 1037 : i32
      %add3A_469 = vector.broadcast %add3A_468 : i32 to vector<16xi32>
      %add3A_470 = arith.addi %mul3A_5, %add3A_469 : vector<16xi32>
      %gather3A_471 = tpu.vector_load_idx %arg12[%add3A_470] : memref<3200xf32, #tpu.memory_space<vmem>>[vector<16xi32>], vector<16xf32>,
      %add3A_472 = arith.addf %add3A_467, %gather3A_471 : vector<16xf32>
      %add3A_473 = arith.constant 1038 : i32
      %add3A_474 = vector.broadcast %add3A_473 : i32 to vector<16xi32>
      %add3A_475 = arith.addi %mul3A_5, %add3A_474 : vector<16xi32>
      %gather3A_476 = tpu.vector_load_idx %arg12[%add3A_475] : memref<3200xf32, #tpu.memory_space<vmem>>[vector<16xi32>], vector<16xf32>,
      %add3A_477 = arith.addf %add3A_472, %gather3A_476 : vector<16xf32>
      %add3A_478 = arith.constant 1039 : i32
      %add3A_479 = vector.broadcast %add3A_478 : i32 to vector<16xi32>
      %add3A_480 = arith.addi %mul3A_5, %add3A_479 : vector<16xi32>
      %gather3A_481 = tpu.vector_load_idx %arg12[%add3A_480] : memref<3200xf32, #tpu.memory_space<vmem>>[vector<16xi32>], vector<16xf32>,
      %add3A_482 = arith.addf %add3A_477, %gather3A_481 : vector<16xf32>
      %swap3A_483 = arith.constant 64 : index
      %swap3A_484 = tpu.vector_load %arg11[%swap3A_483] {strides = array<i32>} : memref<200xf32, #tpu.memory_space<vmem>>, vector<16xf32>,
      tpu.vector_store %arg11[%swap3A_483], %add3A_482 {strides = array<i32>} : memref<200xf32, #tpu.memory_space<vmem>>, vector<16xf32>,
      %add3A_485 = arith.constant 1280 : i32
      %add3A_486 = vector.broadcast %add3A_485 : i32 to vector<16xi32>
      %add3A_487 = arith.addi %mul3A_5, %add3A_486 : vector<16xi32>
      %gather3A_488 = tpu.vector_load_idx %arg12[%add3A_487] : memref<3200xf32, #tpu.memory_space<vmem>>[vector<16xi32>], vector<16xf32>,
      %add3A_489 = arith.constant 1281 : i32
      %add3A_490 = vector.broadcast %add3A_489 : i32 to vector<16xi32>
      %add3A_491 = arith.addi %mul3A_5, %add3A_490 : vector<16xi32>
      %gather3A_492 = tpu.vector_load_idx %arg12[%add3A_491] : memref<3200xf32, #tpu.memory_space<vmem>>[vector<16xi32>], vector<16xf32>,
      %add3A_493 = arith.addf %gather3A_488, %gather3A_492 : vector<16xf32>
      %add3A_494 = arith.constant 1282 : i32
      %add3A_495 = vector.broadcast %add3A_494 : i32 to vector<16xi32>
      %add3A_496 = arith.addi %mul3A_5, %add3A_495 : vector<16xi32>
      %gather3A_497 = tpu.vector_load_idx %arg12[%add3A_496] : memref<3200xf32, #tpu.memory_space<vmem>>[vector<16xi32>], vector<16xf32>,
      %add3A_498 = arith.addf %add3A_493, %gather3A_497 : vector<16xf32>
      %add3A_499 = arith.constant 1283 : i32
      %add3A_500 = vector.broadcast %add3A_499 : i32 to vector<16xi32>
      %add3A_501 = arith.addi %mul3A_5, %add3A_500 : vector<16xi32>
      %gather3A_502 = tpu.vector_load_idx %arg12[%add3A_501] : memref<3200xf32, #tpu.memory_space<vmem>>[vector<16xi32>], vector<16xf32>,
      %add3A_503 = arith.addf %add3A_498, %gather3A_502 : vector<16xf32>
      %add3A_504 = arith.constant 1284 : i32
      %add3A_505 = vector.broadcast %add3A_504 : i32 to vector<16xi32>
      %add3A_506 = arith.addi %mul3A_5, %add3A_505 : vector<16xi32>
      %gather3A_507 = tpu.vector_load_idx %arg12[%add3A_506] : memref<3200xf32, #tpu.memory_space<vmem>>[vector<16xi32>], vector<16xf32>,
      %add3A_508 = arith.addf %add3A_503, %gather3A_507 : vector<16xf32>
      %add3A_509 = arith.constant 1285 : i32
      %add3A_510 = vector.broadcast %add3A_509 : i32 to vector<16xi32>
      %add3A_511 = arith.addi %mul3A_5, %add3A_510 : vector<16xi32>
      %gather3A_512 = tpu.vector_load_idx %arg12[%add3A_511] : memref<3200xf32, #tpu.memory_space<vmem>>[vector<16xi32>], vector<16xf32>,
      %add3A_513 = arith.addf %add3A_508, %gather3A_512 : vector<16xf32>
      %add3A_514 = arith.constant 1286 : i32
      %add3A_515 = vector.broadcast %add3A_514 : i32 to vector<16xi32>
      %add3A_516 = arith.addi %mul3A_5, %add3A_515 : vector<16xi32>
      %gather3A_517 = tpu.vector_load_idx %arg12[%add3A_516] : memref<3200xf32, #tpu.memory_space<vmem>>[vector<16xi32>], vector<16xf32>,
      %add3A_518 = arith.addf %add3A_513, %gather3A_517 : vector<16xf32>
      %add3A_519 = arith.constant 1287 : i32
      %add3A_520 = vector.broadcast %add3A_519 : i32 to vector<16xi32>
      %add3A_521 = arith.addi %mul3A_5, %add3A_520 : vector<16xi32>
      %gather3A_522 = tpu.vector_load_idx %arg12[%add3A_521] : memref<3200xf32, #tpu.memory_space<vmem>>[vector<16xi32>], vector<16xf32>,
      %add3A_523 = arith.addf %add3A_518, %gather3A_522 : vector<16xf32>
      %add3A_524 = arith.constant 1288 : i32
      %add3A_525 = vector.broadcast %add3A_524 : i32 to vector<16xi32>
      %add3A_526 = arith.addi %mul3A_5, %add3A_525 : vector<16xi32>
      %gather3A_527 = tpu.vector_load_idx %arg12[%add3A_526] : memref<3200xf32, #tpu.memory_space<vmem>>[vector<16xi32>], vector<16xf32>,
      %add3A_528 = arith.addf %add3A_523, %gather3A_527 : vector<16xf32>
      %add3A_529 = arith.constant 1289 : i32
      %add3A_530 = vector.broadcast %add3A_529 : i32 to vector<16xi32>
      %add3A_531 = arith.addi %mul3A_5, %add3A_530 : vector<16xi32>
      %gather3A_532 = tpu.vector_load_idx %arg12[%add3A_531] : memref<3200xf32, #tpu.memory_space<vmem>>[vector<16xi32>], vector<16xf32>,
      %add3A_533 = arith.addf %add3A_528, %gather3A_532 : vector<16xf32>
      %add3A_534 = arith.constant 1290 : i32
      %add3A_535 = vector.broadcast %add3A_534 : i32 to vector<16xi32>
      %add3A_536 = arith.addi %mul3A_5, %add3A_535 : vector<16xi32>
      %gather3A_537 = tpu.vector_load_idx %arg12[%add3A_536] : memref<3200xf32, #tpu.memory_space<vmem>>[vector<16xi32>], vector<16xf32>,
      %add3A_538 = arith.addf %add3A_533, %gather3A_537 : vector<16xf32>
      %add3A_539 = arith.constant 1291 : i32
      %add3A_540 = vector.broadcast %add3A_539 : i32 to vector<16xi32>
      %add3A_541 = arith.addi %mul3A_5, %add3A_540 : vector<16xi32>
      %gather3A_542 = tpu.vector_load_idx %arg12[%add3A_541] : memref<3200xf32, #tpu.memory_space<vmem>>[vector<16xi32>], vector<16xf32>,
      %add3A_543 = arith.addf %add3A_538, %gather3A_542 : vector<16xf32>
      %add3A_544 = arith.constant 1292 : i32
      %add3A_545 = vector.broadcast %add3A_544 : i32 to vector<16xi32>
      %add3A_546 = arith.addi %mul3A_5, %add3A_545 : vector<16xi32>
      %gather3A_547 = tpu.vector_load_idx %arg12[%add3A_546] : memref<3200xf32, #tpu.memory_space<vmem>>[vector<16xi32>], vector<16xf32>,
      %add3A_548 = arith.addf %add3A_543, %gather3A_547 : vector<16xf32>
      %add3A_549 = arith.constant 1293 : i32
      %add3A_550 = vector.broadcast %add3A_549 : i32 to vector<16xi32>
      %add3A_551 = arith.addi %mul3A_5, %add3A_550 : vector<16xi32>
      %gather3A_552 = tpu.vector_load_idx %arg12[%add3A_551] : memref<3200xf32, #tpu.memory_space<vmem>>[vector<16xi32>], vector<16xf32>,
      %add3A_553 = arith.addf %add3A_548, %gather3A_552 : vector<16xf32>
      %add3A_554 = arith.constant 1294 : i32
      %add3A_555 = vector.broadcast %add3A_554 : i32 to vector<16xi32>
      %add3A_556 = arith.addi %mul3A_5, %add3A_555 : vector<16xi32>
      %gather3A_557 = tpu.vector_load_idx %arg12[%add3A_556] : memref<3200xf32, #tpu.memory_space<vmem>>[vector<16xi32>], vector<16xf32>,
      %add3A_558 = arith.addf %add3A_553, %gather3A_557 : vector<16xf32>
      %add3A_559 = arith.constant 1295 : i32
      %add3A_560 = vector.broadcast %add3A_559 : i32 to vector<16xi32>
      %add3A_561 = arith.addi %mul3A_5, %add3A_560 : vector<16xi32>
      %gather3A_562 = tpu.vector_load_idx %arg12[%add3A_561] : memref<3200xf32, #tpu.memory_space<vmem>>[vector<16xi32>], vector<16xf32>,
      %add3A_563 = arith.addf %add3A_558, %gather3A_562 : vector<16xf32>
      %swap3A_564 = arith.constant 80 : index
      %swap3A_565 = tpu.vector_load %arg11[%swap3A_564] {strides = array<i32>} : memref<200xf32, #tpu.memory_space<vmem>>, vector<16xf32>,
      tpu.vector_store %arg11[%swap3A_564], %add3A_563 {strides = array<i32>} : memref<200xf32, #tpu.memory_space<vmem>>, vector<16xf32>,
      %add3A_566 = arith.constant 1536 : i32
      %add3A_567 = vector.broadcast %add3A_566 : i32 to vector<16xi32>
      %add3A_568 = arith.addi %mul3A_5, %add3A_567 : vector<16xi32>
      %gather3A_569 = tpu.vector_load_idx %arg12[%add3A_568] : memref<3200xf32, #tpu.memory_space<vmem>>[vector<16xi32>], vector<16xf32>,
      %add3A_570 = arith.constant 1537 : i32
      %add3A_571 = vector.broadcast %add3A_570 : i32 to vector<16xi32>
      %add3A_572 = arith.addi %mul3A_5, %add3A_571 : vector<16xi32>
      %gather3A_573 = tpu.vector_load_idx %arg12[%add3A_572] : memref<3200xf32, #tpu.memory_space<vmem>>[vector<16xi32>], vector<16xf32>,
      %add3A_574 = arith.addf %gather3A_569, %gather3A_573 : vector<16xf32>
      %add3A_575 = arith.constant 1538 : i32
      %add3A_576 = vector.broadcast %add3A_575 : i32 to vector<16xi32>
      %add3A_577 = arith.addi %mul3A_5, %add3A_576 : vector<16xi32>
      %gather3A_578 = tpu.vector_load_idx %arg12[%add3A_577] : memref<3200xf32, #tpu.memory_space<vmem>>[vector<16xi32>], vector<16xf32>,
      %add3A_579 = arith.addf %add3A_574, %gather3A_578 : vector<16xf32>
      %add3A_580 = arith.constant 1539 : i32
      %add3A_581 = vector.broadcast %add3A_580 : i32 to vector<16xi32>
      %add3A_582 = arith.addi %mul3A_5, %add3A_581 : vector<16xi32>
      %gather3A_583 = tpu.vector_load_idx %arg12[%add3A_582] : memref<3200xf32, #tpu.memory_space<vmem>>[vector<16xi32>], vector<16xf32>,
      %add3A_584 = arith.addf %add3A_579, %gather3A_583 : vector<16xf32>
      %add3A_585 = arith.constant 1540 : i32
      %add3A_586 = vector.broadcast %add3A_585 : i32 to vector<16xi32>
      %add3A_587 = arith.addi %mul3A_5, %add3A_586 : vector<16xi32>
      %gather3A_588 = tpu.vector_load_idx %arg12[%add3A_587] : memref<3200xf32, #tpu.memory_space<vmem>>[vector<16xi32>], vector<16xf32>,
      %add3A_589 = arith.addf %add3A_584, %gather3A_588 : vector<16xf32>
      %add3A_590 = arith.constant 1541 : i32
      %add3A_591 = vector.broadcast %add3A_590 : i32 to vector<16xi32>
      %add3A_592 = arith.addi %mul3A_5, %add3A_591 : vector<16xi32>
      %gather3A_593 = tpu.vector_load_idx %arg12[%add3A_592] : memref<3200xf32, #tpu.memory_space<vmem>>[vector<16xi32>], vector<16xf32>,
      %add3A_594 = arith.addf %add3A_589, %gather3A_593 : vector<16xf32>
      %add3A_595 = arith.constant 1542 : i32
      %add3A_596 = vector.broadcast %add3A_595 : i32 to vector<16xi32>
      %add3A_597 = arith.addi %mul3A_5, %add3A_596 : vector<16xi32>
      %gather3A_598 = tpu.vector_load_idx %arg12[%add3A_597] : memref<3200xf32, #tpu.memory_space<vmem>>[vector<16xi32>], vector<16xf32>,
      %add3A_599 = arith.addf %add3A_594, %gather3A_598 : vector<16xf32>
      %add3A_600 = arith.constant 1543 : i32
      %add3A_601 = vector.broadcast %add3A_600 : i32 to vector<16xi32>
      %add3A_602 = arith.addi %mul3A_5, %add3A_601 : vector<16xi32>
      %gather3A_603 = tpu.vector_load_idx %arg12[%add3A_602] : memref<3200xf32, #tpu.memory_space<vmem>>[vector<16xi32>], vector<16xf32>,
      %add3A_604 = arith.addf %add3A_599, %gather3A_603 : vector<16xf32>
      %add3A_605 = arith.constant 1544 : i32
      %add3A_606 = vector.broadcast %add3A_605 : i32 to vector<16xi32>
      %add3A_607 = arith.addi %mul3A_5, %add3A_606 : vector<16xi32>
      %gather3A_608 = tpu.vector_load_idx %arg12[%add3A_607] : memref<3200xf32, #tpu.memory_space<vmem>>[vector<16xi32>], vector<16xf32>,
      %add3A_609 = arith.addf %add3A_604, %gather3A_608 : vector<16xf32>
      %add3A_610 = arith.constant 1545 : i32
      %add3A_611 = vector.broadcast %add3A_610 : i32 to vector<16xi32>
      %add3A_612 = arith.addi %mul3A_5, %add3A_611 : vector<16xi32>
      %gather3A_613 = tpu.vector_load_idx %arg12[%add3A_612] : memref<3200xf32, #tpu.memory_space<vmem>>[vector<16xi32>], vector<16xf32>,
      %add3A_614 = arith.addf %add3A_609, %gather3A_613 : vector<16xf32>
      %add3A_615 = arith.constant 1546 : i32
      %add3A_616 = vector.broadcast %add3A_615 : i32 to vector<16xi32>
      %add3A_617 = arith.addi %mul3A_5, %add3A_616 : vector<16xi32>
      %gather3A_618 = tpu.vector_load_idx %arg12[%add3A_617] : memref<3200xf32, #tpu.memory_space<vmem>>[vector<16xi32>], vector<16xf32>,
      %add3A_619 = arith.addf %add3A_614, %gather3A_618 : vector<16xf32>
      %add3A_620 = arith.constant 1547 : i32
      %add3A_621 = vector.broadcast %add3A_620 : i32 to vector<16xi32>
      %add3A_622 = arith.addi %mul3A_5, %add3A_621 : vector<16xi32>
      %gather3A_623 = tpu.vector_load_idx %arg12[%add3A_622] : memref<3200xf32, #tpu.memory_space<vmem>>[vector<16xi32>], vector<16xf32>,
      %add3A_624 = arith.addf %add3A_619, %gather3A_623 : vector<16xf32>
      %add3A_625 = arith.constant 1548 : i32
      %add3A_626 = vector.broadcast %add3A_625 : i32 to vector<16xi32>
      %add3A_627 = arith.addi %mul3A_5, %add3A_626 : vector<16xi32>
      %gather3A_628 = tpu.vector_load_idx %arg12[%add3A_627] : memref<3200xf32, #tpu.memory_space<vmem>>[vector<16xi32>], vector<16xf32>,
      %add3A_629 = arith.addf %add3A_624, %gather3A_628 : vector<16xf32>
      %add3A_630 = arith.constant 1549 : i32
      %add3A_631 = vector.broadcast %add3A_630 : i32 to vector<16xi32>
      %add3A_632 = arith.addi %mul3A_5, %add3A_631 : vector<16xi32>
      %gather3A_633 = tpu.vector_load_idx %arg12[%add3A_632] : memref<3200xf32, #tpu.memory_space<vmem>>[vector<16xi32>], vector<16xf32>,
      %add3A_634 = arith.addf %add3A_629, %gather3A_633 : vector<16xf32>
      %add3A_635 = arith.constant 1550 : i32
      %add3A_636 = vector.broadcast %add3A_635 : i32 to vector<16xi32>
      %add3A_637 = arith.addi %mul3A_5, %add3A_636 : vector<16xi32>
      %gather3A_638 = tpu.vector_load_idx %arg12[%add3A_637] : memref<3200xf32, #tpu.memory_space<vmem>>[vector<16xi32>], vector<16xf32>,
      %add3A_639 = arith.addf %add3A_634, %gather3A_638 : vector<16xf32>
      %add3A_640 = arith.constant 1551 : i32
      %add3A_641 = vector.broadcast %add3A_640 : i32 to vector<16xi32>
      %add3A_642 = arith.addi %mul3A_5, %add3A_641 : vector<16xi32>
      %gather3A_643 = tpu.vector_load_idx %arg12[%add3A_642] : memref<3200xf32, #tpu.memory_space<vmem>>[vector<16xi32>], vector<16xf32>,
      %add3A_644 = arith.addf %add3A_639, %gather3A_643 : vector<16xf32>
      %swap3A_645 = arith.constant 96 : index
      %swap3A_646 = tpu.vector_load %arg11[%swap3A_645] {strides = array<i32>} : memref<200xf32, #tpu.memory_space<vmem>>, vector<16xf32>,
      tpu.vector_store %arg11[%swap3A_645], %add3A_644 {strides = array<i32>} : memref<200xf32, #tpu.memory_space<vmem>>, vector<16xf32>,
      %add3A_647 = arith.constant 1792 : i32
      %add3A_648 = vector.broadcast %add3A_647 : i32 to vector<16xi32>
      %add3A_649 = arith.addi %mul3A_5, %add3A_648 : vector<16xi32>
      %gather3A_650 = tpu.vector_load_idx %arg12[%add3A_649] : memref<3200xf32, #tpu.memory_space<vmem>>[vector<16xi32>], vector<16xf32>,
      %add3A_651 = arith.constant 1793 : i32
      %add3A_652 = vector.broadcast %add3A_651 : i32 to vector<16xi32>
      %add3A_653 = arith.addi %mul3A_5, %add3A_652 : vector<16xi32>
      %gather3A_654 = tpu.vector_load_idx %arg12[%add3A_653] : memref<3200xf32, #tpu.memory_space<vmem>>[vector<16xi32>], vector<16xf32>,
      %add3A_655 = arith.addf %gather3A_650, %gather3A_654 : vector<16xf32>
      %add3A_656 = arith.constant 1794 : i32
      %add3A_657 = vector.broadcast %add3A_656 : i32 to vector<16xi32>
      %add3A_658 = arith.addi %mul3A_5, %add3A_657 : vector<16xi32>
      %gather3A_659 = tpu.vector_load_idx %arg12[%add3A_658] : memref<3200xf32, #tpu.memory_space<vmem>>[vector<16xi32>], vector<16xf32>,
      %add3A_660 = arith.addf %add3A_655, %gather3A_659 : vector<16xf32>
      %add3A_661 = arith.constant 1795 : i32
      %add3A_662 = vector.broadcast %add3A_661 : i32 to vector<16xi32>
      %add3A_663 = arith.addi %mul3A_5, %add3A_662 : vector<16xi32>
      %gather3A_664 = tpu.vector_load_idx %arg12[%add3A_663] : memref<3200xf32, #tpu.memory_space<vmem>>[vector<16xi32>], vector<16xf32>,
      %add3A_665 = arith.addf %add3A_660, %gather3A_664 : vector<16xf32>
      %add3A_666 = arith.constant 1796 : i32
      %add3A_667 = vector.broadcast %add3A_666 : i32 to vector<16xi32>
      %add3A_668 = arith.addi %mul3A_5, %add3A_667 : vector<16xi32>
      %gather3A_669 = tpu.vector_load_idx %arg12[%add3A_668] : memref<3200xf32, #tpu.memory_space<vmem>>[vector<16xi32>], vector<16xf32>,
      %add3A_670 = arith.addf %add3A_665, %gather3A_669 : vector<16xf32>
      %add3A_671 = arith.constant 1797 : i32
      %add3A_672 = vector.broadcast %add3A_671 : i32 to vector<16xi32>
      %add3A_673 = arith.addi %mul3A_5, %add3A_672 : vector<16xi32>
      %gather3A_674 = tpu.vector_load_idx %arg12[%add3A_673] : memref<3200xf32, #tpu.memory_space<vmem>>[vector<16xi32>], vector<16xf32>,
      %add3A_675 = arith.addf %add3A_670, %gather3A_674 : vector<16xf32>
      %add3A_676 = arith.constant 1798 : i32
      %add3A_677 = vector.broadcast %add3A_676 : i32 to vector<16xi32>
      %add3A_678 = arith.addi %mul3A_5, %add3A_677 : vector<16xi32>
      %gather3A_679 = tpu.vector_load_idx %arg12[%add3A_678] : memref<3200xf32, #tpu.memory_space<vmem>>[vector<16xi32>], vector<16xf32>,
      %add3A_680 = arith.addf %add3A_675, %gather3A_679 : vector<16xf32>
      %add3A_681 = arith.constant 1799 : i32
      %add3A_682 = vector.broadcast %add3A_681 : i32 to vector<16xi32>
      %add3A_683 = arith.addi %mul3A_5, %add3A_682 : vector<16xi32>
      %gather3A_684 = tpu.vector_load_idx %arg12[%add3A_683] : memref<3200xf32, #tpu.memory_space<vmem>>[vector<16xi32>], vector<16xf32>,
      %add3A_685 = arith.addf %add3A_680, %gather3A_684 : vector<16xf32>
      %add3A_686 = arith.constant 1800 : i32
      %add3A_687 = vector.broadcast %add3A_686 : i32 to vector<16xi32>
      %add3A_688 = arith.addi %mul3A_5, %add3A_687 : vector<16xi32>
      %gather3A_689 = tpu.vector_load_idx %arg12[%add3A_688] : memref<3200xf32, #tpu.memory_space<vmem>>[vector<16xi32>], vector<16xf32>,
      %add3A_690 = arith.addf %add3A_685, %gather3A_689 : vector<16xf32>
      %add3A_691 = arith.constant 1801 : i32
      %add3A_692 = vector.broadcast %add3A_691 : i32 to vector<16xi32>
      %add3A_693 = arith.addi %mul3A_5, %add3A_692 : vector<16xi32>
      %gather3A_694 = tpu.vector_load_idx %arg12[%add3A_693] : memref<3200xf32, #tpu.memory_space<vmem>>[vector<16xi32>], vector<16xf32>,
      %add3A_695 = arith.addf %add3A_690, %gather3A_694 : vector<16xf32>
      %add3A_696 = arith.constant 1802 : i32
      %add3A_697 = vector.broadcast %add3A_696 : i32 to vector<16xi32>
      %add3A_698 = arith.addi %mul3A_5, %add3A_697 : vector<16xi32>
      %gather3A_699 = tpu.vector_load_idx %arg12[%add3A_698] : memref<3200xf32, #tpu.memory_space<vmem>>[vector<16xi32>], vector<16xf32>,
      %add3A_700 = arith.addf %add3A_695, %gather3A_699 : vector<16xf32>
      %add3A_701 = arith.constant 1803 : i32
      %add3A_702 = vector.broadcast %add3A_701 : i32 to vector<16xi32>
      %add3A_703 = arith.addi %mul3A_5, %add3A_702 : vector<16xi32>
      %gather3A_704 = tpu.vector_load_idx %arg12[%add3A_703] : memref<3200xf32, #tpu.memory_space<vmem>>[vector<16xi32>], vector<16xf32>,
      %add3A_705 = arith.addf %add3A_700, %gather3A_704 : vector<16xf32>
      %add3A_706 = arith.constant 1804 : i32
      %add3A_707 = vector.broadcast %add3A_706 : i32 to vector<16xi32>
      %add3A_708 = arith.addi %mul3A_5, %add3A_707 : vector<16xi32>
      %gather3A_709 = tpu.vector_load_idx %arg12[%add3A_708] : memref<3200xf32, #tpu.memory_space<vmem>>[vector<16xi32>], vector<16xf32>,
      %add3A_710 = arith.addf %add3A_705, %gather3A_709 : vector<16xf32>
      %add3A_711 = arith.constant 1805 : i32
      %add3A_712 = vector.broadcast %add3A_711 : i32 to vector<16xi32>
      %add3A_713 = arith.addi %mul3A_5, %add3A_712 : vector<16xi32>
      %gather3A_714 = tpu.vector_load_idx %arg12[%add3A_713] : memref<3200xf32, #tpu.memory_space<vmem>>[vector<16xi32>], vector<16xf32>,
      %add3A_715 = arith.addf %add3A_710, %gather3A_714 : vector<16xf32>
      %add3A_716 = arith.constant 1806 : i32
      %add3A_717 = vector.broadcast %add3A_716 : i32 to vector<16xi32>
      %add3A_718 = arith.addi %mul3A_5, %add3A_717 : vector<16xi32>
      %gather3A_719 = tpu.vector_load_idx %arg12[%add3A_718] : memref<3200xf32, #tpu.memory_space<vmem>>[vector<16xi32>], vector<16xf32>,
      %add3A_720 = arith.addf %add3A_715, %gather3A_719 : vector<16xf32>
      %add3A_721 = arith.constant 1807 : i32
      %add3A_722 = vector.broadcast %add3A_721 : i32 to vector<16xi32>
      %add3A_723 = arith.addi %mul3A_5, %add3A_722 : vector<16xi32>
      %gather3A_724 = tpu.vector_load_idx %arg12[%add3A_723] : memref<3200xf32, #tpu.memory_space<vmem>>[vector<16xi32>], vector<16xf32>,
      %add3A_725 = arith.addf %add3A_720, %gather3A_724 : vector<16xf32>
      %swap3A_726 = arith.constant 112 : index
      %swap3A_727 = tpu.vector_load %arg11[%swap3A_726] {strides = array<i32>} : memref<200xf32, #tpu.memory_space<vmem>>, vector<16xf32>,
      tpu.vector_store %arg11[%swap3A_726], %add3A_725 {strides = array<i32>} : memref<200xf32, #tpu.memory_space<vmem>>, vector<16xf32>,
      %add3A_728 = arith.constant 2048 : i32
      %add3A_729 = vector.broadcast %add3A_728 : i32 to vector<16xi32>
      %add3A_730 = arith.addi %mul3A_5, %add3A_729 : vector<16xi32>
      %gather3A_731 = tpu.vector_load_idx %arg12[%add3A_730] : memref<3200xf32, #tpu.memory_space<vmem>>[vector<16xi32>], vector<16xf32>,
      %add3A_732 = arith.constant 2049 : i32
      %add3A_733 = vector.broadcast %add3A_732 : i32 to vector<16xi32>
      %add3A_734 = arith.addi %mul3A_5, %add3A_733 : vector<16xi32>
      %gather3A_735 = tpu.vector_load_idx %arg12[%add3A_734] : memref<3200xf32, #tpu.memory_space<vmem>>[vector<16xi32>], vector<16xf32>,
      %add3A_736 = arith.addf %gather3A_731, %gather3A_735 : vector<16xf32>
      %add3A_737 = arith.constant 2050 : i32
      %add3A_738 = vector.broadcast %add3A_737 : i32 to vector<16xi32>
      %add3A_739 = arith.addi %mul3A_5, %add3A_738 : vector<16xi32>
      %gather3A_740 = tpu.vector_load_idx %arg12[%add3A_739] : memref<3200xf32, #tpu.memory_space<vmem>>[vector<16xi32>], vector<16xf32>,
      %add3A_741 = arith.addf %add3A_736, %gather3A_740 : vector<16xf32>
      %add3A_742 = arith.constant 2051 : i32
      %add3A_743 = vector.broadcast %add3A_742 : i32 to vector<16xi32>
      %add3A_744 = arith.addi %mul3A_5, %add3A_743 : vector<16xi32>
      %gather3A_745 = tpu.vector_load_idx %arg12[%add3A_744] : memref<3200xf32, #tpu.memory_space<vmem>>[vector<16xi32>], vector<16xf32>,
      %add3A_746 = arith.addf %add3A_741, %gather3A_745 : vector<16xf32>
      %add3A_747 = arith.constant 2052 : i32
      %add3A_748 = vector.broadcast %add3A_747 : i32 to vector<16xi32>
      %add3A_749 = arith.addi %mul3A_5, %add3A_748 : vector<16xi32>
      %gather3A_750 = tpu.vector_load_idx %arg12[%add3A_749] : memref<3200xf32, #tpu.memory_space<vmem>>[vector<16xi32>], vector<16xf32>,
      %add3A_751 = arith.addf %add3A_746, %gather3A_750 : vector<16xf32>
      %add3A_752 = arith.constant 2053 : i32
      %add3A_753 = vector.broadcast %add3A_752 : i32 to vector<16xi32>
      %add3A_754 = arith.addi %mul3A_5, %add3A_753 : vector<16xi32>
      %gather3A_755 = tpu.vector_load_idx %arg12[%add3A_754] : memref<3200xf32, #tpu.memory_space<vmem>>[vector<16xi32>], vector<16xf32>,
      %add3A_756 = arith.addf %add3A_751, %gather3A_755 : vector<16xf32>
      %add3A_757 = arith.constant 2054 : i32
      %add3A_758 = vector.broadcast %add3A_757 : i32 to vector<16xi32>
      %add3A_759 = arith.addi %mul3A_5, %add3A_758 : vector<16xi32>
      %gather3A_760 = tpu.vector_load_idx %arg12[%add3A_759] : memref<3200xf32, #tpu.memory_space<vmem>>[vector<16xi32>], vector<16xf32>,
      %add3A_761 = arith.addf %add3A_756, %gather3A_760 : vector<16xf32>
      %add3A_762 = arith.constant 2055 : i32
      %add3A_763 = vector.broadcast %add3A_762 : i32 to vector<16xi32>
      %add3A_764 = arith.addi %mul3A_5, %add3A_763 : vector<16xi32>
      %gather3A_765 = tpu.vector_load_idx %arg12[%add3A_764] : memref<3200xf32, #tpu.memory_space<vmem>>[vector<16xi32>], vector<16xf32>,
      %add3A_766 = arith.addf %add3A_761, %gather3A_765 : vector<16xf32>
      %add3A_767 = arith.constant 2056 : i32
      %add3A_768 = vector.broadcast %add3A_767 : i32 to vector<16xi32>
      %add3A_769 = arith.addi %mul3A_5, %add3A_768 : vector<16xi32>
      %gather3A_770 = tpu.vector_load_idx %arg12[%add3A_769] : memref<3200xf32, #tpu.memory_space<vmem>>[vector<16xi32>], vector<16xf32>,
      %add3A_771 = arith.addf %add3A_766, %gather3A_770 : vector<16xf32>
      %add3A_772 = arith.constant 2057 : i32
      %add3A_773 = vector.broadcast %add3A_772 : i32 to vector<16xi32>
      %add3A_774 = arith.addi %mul3A_5, %add3A_773 : vector<16xi32>
      %gather3A_775 = tpu.vector_load_idx %arg12[%add3A_774] : memref<3200xf32, #tpu.memory_space<vmem>>[vector<16xi32>], vector<16xf32>,
      %add3A_776 = arith.addf %add3A_771, %gather3A_775 : vector<16xf32>
      %add3A_777 = arith.constant 2058 : i32
      %add3A_778 = vector.broadcast %add3A_777 : i32 to vector<16xi32>
      %add3A_779 = arith.addi %mul3A_5, %add3A_778 : vector<16xi32>
      %gather3A_780 = tpu.vector_load_idx %arg12[%add3A_779] : memref<3200xf32, #tpu.memory_space<vmem>>[vector<16xi32>], vector<16xf32>,
      %add3A_781 = arith.addf %add3A_776, %gather3A_780 : vector<16xf32>
      %add3A_782 = arith.constant 2059 : i32
      %add3A_783 = vector.broadcast %add3A_782 : i32 to vector<16xi32>
      %add3A_784 = arith.addi %mul3A_5, %add3A_783 : vector<16xi32>
      %gather3A_785 = tpu.vector_load_idx %arg12[%add3A_784] : memref<3200xf32, #tpu.memory_space<vmem>>[vector<16xi32>], vector<16xf32>,
      %add3A_786 = arith.addf %add3A_781, %gather3A_785 : vector<16xf32>
      %add3A_787 = arith.constant 2060 : i32
      %add3A_788 = vector.broadcast %add3A_787 : i32 to vector<16xi32>
      %add3A_789 = arith.addi %mul3A_5, %add3A_788 : vector<16xi32>
      %gather3A_790 = tpu.vector_load_idx %arg12[%add3A_789] : memref<3200xf32, #tpu.memory_space<vmem>>[vector<16xi32>], vector<16xf32>,
      %add3A_791 = arith.addf %add3A_786, %gather3A_790 : vector<16xf32>
      %add3A_792 = arith.constant 2061 : i32
      %add3A_793 = vector.broadcast %add3A_792 : i32 to vector<16xi32>
      %add3A_794 = arith.addi %mul3A_5, %add3A_793 : vector<16xi32>
      %gather3A_795 = tpu.vector_load_idx %arg12[%add3A_794] : memref<3200xf32, #tpu.memory_space<vmem>>[vector<16xi32>], vector<16xf32>,
      %add3A_796 = arith.addf %add3A_791, %gather3A_795 : vector<16xf32>
      %add3A_797 = arith.constant 2062 : i32
      %add3A_798 = vector.broadcast %add3A_797 : i32 to vector<16xi32>
      %add3A_799 = arith.addi %mul3A_5, %add3A_798 : vector<16xi32>
      %gather3A_800 = tpu.vector_load_idx %arg12[%add3A_799] : memref<3200xf32, #tpu.memory_space<vmem>>[vector<16xi32>], vector<16xf32>,
      %add3A_801 = arith.addf %add3A_796, %gather3A_800 : vector<16xf32>
      %add3A_802 = arith.constant 2063 : i32
      %add3A_803 = vector.broadcast %add3A_802 : i32 to vector<16xi32>
      %add3A_804 = arith.addi %mul3A_5, %add3A_803 : vector<16xi32>
      %gather3A_805 = tpu.vector_load_idx %arg12[%add3A_804] : memref<3200xf32, #tpu.memory_space<vmem>>[vector<16xi32>], vector<16xf32>,
      %add3A_806 = arith.addf %add3A_801, %gather3A_805 : vector<16xf32>
      %swap3A_807 = arith.constant 128 : index
      %swap3A_808 = tpu.vector_load %arg11[%swap3A_807] {strides = array<i32>} : memref<200xf32, #tpu.memory_space<vmem>>, vector<16xf32>,
      tpu.vector_store %arg11[%swap3A_807], %add3A_806 {strides = array<i32>} : memref<200xf32, #tpu.memory_space<vmem>>, vector<16xf32>,
      %add3A_809 = arith.constant 2304 : i32
      %add3A_810 = vector.broadcast %add3A_809 : i32 to vector<16xi32>
      %add3A_811 = arith.addi %mul3A_5, %add3A_810 : vector<16xi32>
      %gather3A_812 = tpu.vector_load_idx %arg12[%add3A_811] : memref<3200xf32, #tpu.memory_space<vmem>>[vector<16xi32>], vector<16xf32>,
      %add3A_813 = arith.constant 2305 : i32
      %add3A_814 = vector.broadcast %add3A_813 : i32 to vector<16xi32>
      %add3A_815 = arith.addi %mul3A_5, %add3A_814 : vector<16xi32>
      %gather3A_816 = tpu.vector_load_idx %arg12[%add3A_815] : memref<3200xf32, #tpu.memory_space<vmem>>[vector<16xi32>], vector<16xf32>,
      %add3A_817 = arith.addf %gather3A_812, %gather3A_816 : vector<16xf32>
      %add3A_818 = arith.constant 2306 : i32
      %add3A_819 = vector.broadcast %add3A_818 : i32 to vector<16xi32>
      %add3A_820 = arith.addi %mul3A_5, %add3A_819 : vector<16xi32>
      %gather3A_821 = tpu.vector_load_idx %arg12[%add3A_820] : memref<3200xf32, #tpu.memory_space<vmem>>[vector<16xi32>], vector<16xf32>,
      %add3A_822 = arith.addf %add3A_817, %gather3A_821 : vector<16xf32>
      %add3A_823 = arith.constant 2307 : i32
      %add3A_824 = vector.broadcast %add3A_823 : i32 to vector<16xi32>
      %add3A_825 = arith.addi %mul3A_5, %add3A_824 : vector<16xi32>
      %gather3A_826 = tpu.vector_load_idx %arg12[%add3A_825] : memref<3200xf32, #tpu.memory_space<vmem>>[vector<16xi32>], vector<16xf32>,
      %add3A_827 = arith.addf %add3A_822, %gather3A_826 : vector<16xf32>
      %add3A_828 = arith.constant 2308 : i32
      %add3A_829 = vector.broadcast %add3A_828 : i32 to vector<16xi32>
      %add3A_830 = arith.addi %mul3A_5, %add3A_829 : vector<16xi32>
      %gather3A_831 = tpu.vector_load_idx %arg12[%add3A_830] : memref<3200xf32, #tpu.memory_space<vmem>>[vector<16xi32>], vector<16xf32>,
      %add3A_832 = arith.addf %add3A_827, %gather3A_831 : vector<16xf32>
      %add3A_833 = arith.constant 2309 : i32
      %add3A_834 = vector.broadcast %add3A_833 : i32 to vector<16xi32>
      %add3A_835 = arith.addi %mul3A_5, %add3A_834 : vector<16xi32>
      %gather3A_836 = tpu.vector_load_idx %arg12[%add3A_835] : memref<3200xf32, #tpu.memory_space<vmem>>[vector<16xi32>], vector<16xf32>,
      %add3A_837 = arith.addf %add3A_832, %gather3A_836 : vector<16xf32>
      %add3A_838 = arith.constant 2310 : i32
      %add3A_839 = vector.broadcast %add3A_838 : i32 to vector<16xi32>
      %add3A_840 = arith.addi %mul3A_5, %add3A_839 : vector<16xi32>
      %gather3A_841 = tpu.vector_load_idx %arg12[%add3A_840] : memref<3200xf32, #tpu.memory_space<vmem>>[vector<16xi32>], vector<16xf32>,
      %add3A_842 = arith.addf %add3A_837, %gather3A_841 : vector<16xf32>
      %add3A_843 = arith.constant 2311 : i32
      %add3A_844 = vector.broadcast %add3A_843 : i32 to vector<16xi32>
      %add3A_845 = arith.addi %mul3A_5, %add3A_844 : vector<16xi32>
      %gather3A_846 = tpu.vector_load_idx %arg12[%add3A_845] : memref<3200xf32, #tpu.memory_space<vmem>>[vector<16xi32>], vector<16xf32>,
      %add3A_847 = arith.addf %add3A_842, %gather3A_846 : vector<16xf32>
      %add3A_848 = arith.constant 2312 : i32
      %add3A_849 = vector.broadcast %add3A_848 : i32 to vector<16xi32>
      %add3A_850 = arith.addi %mul3A_5, %add3A_849 : vector<16xi32>
      %gather3A_851 = tpu.vector_load_idx %arg12[%add3A_850] : memref<3200xf32, #tpu.memory_space<vmem>>[vector<16xi32>], vector<16xf32>,
      %add3A_852 = arith.addf %add3A_847, %gather3A_851 : vector<16xf32>
      %add3A_853 = arith.constant 2313 : i32
      %add3A_854 = vector.broadcast %add3A_853 : i32 to vector<16xi32>
      %add3A_855 = arith.addi %mul3A_5, %add3A_854 : vector<16xi32>
      %gather3A_856 = tpu.vector_load_idx %arg12[%add3A_855] : memref<3200xf32, #tpu.memory_space<vmem>>[vector<16xi32>], vector<16xf32>,
      %add3A_857 = arith.addf %add3A_852, %gather3A_856 : vector<16xf32>
      %add3A_858 = arith.constant 2314 : i32
      %add3A_859 = vector.broadcast %add3A_858 : i32 to vector<16xi32>
      %add3A_860 = arith.addi %mul3A_5, %add3A_859 : vector<16xi32>
      %gather3A_861 = tpu.vector_load_idx %arg12[%add3A_860] : memref<3200xf32, #tpu.memory_space<vmem>>[vector<16xi32>], vector<16xf32>,
      %add3A_862 = arith.addf %add3A_857, %gather3A_861 : vector<16xf32>
      %add3A_863 = arith.constant 2315 : i32
      %add3A_864 = vector.broadcast %add3A_863 : i32 to vector<16xi32>
      %add3A_865 = arith.addi %mul3A_5, %add3A_864 : vector<16xi32>
      %gather3A_866 = tpu.vector_load_idx %arg12[%add3A_865] : memref<3200xf32, #tpu.memory_space<vmem>>[vector<16xi32>], vector<16xf32>,
      %add3A_867 = arith.addf %add3A_862, %gather3A_866 : vector<16xf32>
      %add3A_868 = arith.constant 2316 : i32
      %add3A_869 = vector.broadcast %add3A_868 : i32 to vector<16xi32>
      %add3A_870 = arith.addi %mul3A_5, %add3A_869 : vector<16xi32>
      %gather3A_871 = tpu.vector_load_idx %arg12[%add3A_870] : memref<3200xf32, #tpu.memory_space<vmem>>[vector<16xi32>], vector<16xf32>,
      %add3A_872 = arith.addf %add3A_867, %gather3A_871 : vector<16xf32>
      %add3A_873 = arith.constant 2317 : i32
      %add3A_874 = vector.broadcast %add3A_873 : i32 to vector<16xi32>
      %add3A_875 = arith.addi %mul3A_5, %add3A_874 : vector<16xi32>
      %gather3A_876 = tpu.vector_load_idx %arg12[%add3A_875] : memref<3200xf32, #tpu.memory_space<vmem>>[vector<16xi32>], vector<16xf32>,
      %add3A_877 = arith.addf %add3A_872, %gather3A_876 : vector<16xf32>
      %add3A_878 = arith.constant 2318 : i32
      %add3A_879 = vector.broadcast %add3A_878 : i32 to vector<16xi32>
      %add3A_880 = arith.addi %mul3A_5, %add3A_879 : vector<16xi32>
      %gather3A_881 = tpu.vector_load_idx %arg12[%add3A_880] : memref<3200xf32, #tpu.memory_space<vmem>>[vector<16xi32>], vector<16xf32>,
      %add3A_882 = arith.addf %add3A_877, %gather3A_881 : vector<16xf32>
      %add3A_883 = arith.constant 2319 : i32
      %add3A_884 = vector.broadcast %add3A_883 : i32 to vector<16xi32>
      %add3A_885 = arith.addi %mul3A_5, %add3A_884 : vector<16xi32>
      %gather3A_886 = tpu.vector_load_idx %arg12[%add3A_885] : memref<3200xf32, #tpu.memory_space<vmem>>[vector<16xi32>], vector<16xf32>,
      %add3A_887 = arith.addf %add3A_882, %gather3A_886 : vector<16xf32>
      %swap3A_888 = arith.constant 144 : index
      %swap3A_889 = tpu.vector_load %arg11[%swap3A_888] {strides = array<i32>} : memref<200xf32, #tpu.memory_space<vmem>>, vector<16xf32>,
      tpu.vector_store %arg11[%swap3A_888], %add3A_887 {strides = array<i32>} : memref<200xf32, #tpu.memory_space<vmem>>, vector<16xf32>,
      %add3A_890 = arith.constant 2560 : i32
      %add3A_891 = vector.broadcast %add3A_890 : i32 to vector<16xi32>
      %add3A_892 = arith.addi %mul3A_5, %add3A_891 : vector<16xi32>
      %gather3A_893 = tpu.vector_load_idx %arg12[%add3A_892] : memref<3200xf32, #tpu.memory_space<vmem>>[vector<16xi32>], vector<16xf32>,
      %add3A_894 = arith.constant 2561 : i32
      %add3A_895 = vector.broadcast %add3A_894 : i32 to vector<16xi32>
      %add3A_896 = arith.addi %mul3A_5, %add3A_895 : vector<16xi32>
      %gather3A_897 = tpu.vector_load_idx %arg12[%add3A_896] : memref<3200xf32, #tpu.memory_space<vmem>>[vector<16xi32>], vector<16xf32>,
      %add3A_898 = arith.addf %gather3A_893, %gather3A_897 : vector<16xf32>
      %add3A_899 = arith.constant 2562 : i32
      %add3A_900 = vector.broadcast %add3A_899 : i32 to vector<16xi32>
      %add3A_901 = arith.addi %mul3A_5, %add3A_900 : vector<16xi32>
      %gather3A_902 = tpu.vector_load_idx %arg12[%add3A_901] : memref<3200xf32, #tpu.memory_space<vmem>>[vector<16xi32>], vector<16xf32>,
      %add3A_903 = arith.addf %add3A_898, %gather3A_902 : vector<16xf32>
      %add3A_904 = arith.constant 2563 : i32
      %add3A_905 = vector.broadcast %add3A_904 : i32 to vector<16xi32>
      %add3A_906 = arith.addi %mul3A_5, %add3A_905 : vector<16xi32>
      %gather3A_907 = tpu.vector_load_idx %arg12[%add3A_906] : memref<3200xf32, #tpu.memory_space<vmem>>[vector<16xi32>], vector<16xf32>,
      %add3A_908 = arith.addf %add3A_903, %gather3A_907 : vector<16xf32>
      %add3A_909 = arith.constant 2564 : i32
      %add3A_910 = vector.broadcast %add3A_909 : i32 to vector<16xi32>
      %add3A_911 = arith.addi %mul3A_5, %add3A_910 : vector<16xi32>
      %gather3A_912 = tpu.vector_load_idx %arg12[%add3A_911] : memref<3200xf32, #tpu.memory_space<vmem>>[vector<16xi32>], vector<16xf32>,
      %add3A_913 = arith.addf %add3A_908, %gather3A_912 : vector<16xf32>
      %add3A_914 = arith.constant 2565 : i32
      %add3A_915 = vector.broadcast %add3A_914 : i32 to vector<16xi32>
      %add3A_916 = arith.addi %mul3A_5, %add3A_915 : vector<16xi32>
      %gather3A_917 = tpu.vector_load_idx %arg12[%add3A_916] : memref<3200xf32, #tpu.memory_space<vmem>>[vector<16xi32>], vector<16xf32>,
      %add3A_918 = arith.addf %add3A_913, %gather3A_917 : vector<16xf32>
      %add3A_919 = arith.constant 2566 : i32
      %add3A_920 = vector.broadcast %add3A_919 : i32 to vector<16xi32>
      %add3A_921 = arith.addi %mul3A_5, %add3A_920 : vector<16xi32>
      %gather3A_922 = tpu.vector_load_idx %arg12[%add3A_921] : memref<3200xf32, #tpu.memory_space<vmem>>[vector<16xi32>], vector<16xf32>,
      %add3A_923 = arith.addf %add3A_918, %gather3A_922 : vector<16xf32>
      %add3A_924 = arith.constant 2567 : i32
      %add3A_925 = vector.broadcast %add3A_924 : i32 to vector<16xi32>
      %add3A_926 = arith.addi %mul3A_5, %add3A_925 : vector<16xi32>
      %gather3A_927 = tpu.vector_load_idx %arg12[%add3A_926] : memref<3200xf32, #tpu.memory_space<vmem>>[vector<16xi32>], vector<16xf32>,
      %add3A_928 = arith.addf %add3A_923, %gather3A_927 : vector<16xf32>
      %add3A_929 = arith.constant 2568 : i32
      %add3A_930 = vector.broadcast %add3A_929 : i32 to vector<16xi32>
      %add3A_931 = arith.addi %mul3A_5, %add3A_930 : vector<16xi32>
      %gather3A_932 = tpu.vector_load_idx %arg12[%add3A_931] : memref<3200xf32, #tpu.memory_space<vmem>>[vector<16xi32>], vector<16xf32>,
      %add3A_933 = arith.addf %add3A_928, %gather3A_932 : vector<16xf32>
      %add3A_934 = arith.constant 2569 : i32
      %add3A_935 = vector.broadcast %add3A_934 : i32 to vector<16xi32>
      %add3A_936 = arith.addi %mul3A_5, %add3A_935 : vector<16xi32>
      %gather3A_937 = tpu.vector_load_idx %arg12[%add3A_936] : memref<3200xf32, #tpu.memory_space<vmem>>[vector<16xi32>], vector<16xf32>,
      %add3A_938 = arith.addf %add3A_933, %gather3A_937 : vector<16xf32>
      %add3A_939 = arith.constant 2570 : i32
      %add3A_940 = vector.broadcast %add3A_939 : i32 to vector<16xi32>
      %add3A_941 = arith.addi %mul3A_5, %add3A_940 : vector<16xi32>
      %gather3A_942 = tpu.vector_load_idx %arg12[%add3A_941] : memref<3200xf32, #tpu.memory_space<vmem>>[vector<16xi32>], vector<16xf32>,
      %add3A_943 = arith.addf %add3A_938, %gather3A_942 : vector<16xf32>
      %add3A_944 = arith.constant 2571 : i32
      %add3A_945 = vector.broadcast %add3A_944 : i32 to vector<16xi32>
      %add3A_946 = arith.addi %mul3A_5, %add3A_945 : vector<16xi32>
      %gather3A_947 = tpu.vector_load_idx %arg12[%add3A_946] : memref<3200xf32, #tpu.memory_space<vmem>>[vector<16xi32>], vector<16xf32>,
      %add3A_948 = arith.addf %add3A_943, %gather3A_947 : vector<16xf32>
      %add3A_949 = arith.constant 2572 : i32
      %add3A_950 = vector.broadcast %add3A_949 : i32 to vector<16xi32>
      %add3A_951 = arith.addi %mul3A_5, %add3A_950 : vector<16xi32>
      %gather3A_952 = tpu.vector_load_idx %arg12[%add3A_951] : memref<3200xf32, #tpu.memory_space<vmem>>[vector<16xi32>], vector<16xf32>,
      %add3A_953 = arith.addf %add3A_948, %gather3A_952 : vector<16xf32>
      %add3A_954 = arith.constant 2573 : i32
      %add3A_955 = vector.broadcast %add3A_954 : i32 to vector<16xi32>
      %add3A_956 = arith.addi %mul3A_5, %add3A_955 : vector<16xi32>
      %gather3A_957 = tpu.vector_load_idx %arg12[%add3A_956] : memref<3200xf32, #tpu.memory_space<vmem>>[vector<16xi32>], vector<16xf32>,
      %add3A_958 = arith.addf %add3A_953, %gather3A_957 : vector<16xf32>
      %add3A_959 = arith.constant 2574 : i32
      %add3A_960 = vector.broadcast %add3A_959 : i32 to vector<16xi32>
      %add3A_961 = arith.addi %mul3A_5, %add3A_960 : vector<16xi32>
      %gather3A_962 = tpu.vector_load_idx %arg12[%add3A_961] : memref<3200xf32, #tpu.memory_space<vmem>>[vector<16xi32>], vector<16xf32>,
      %add3A_963 = arith.addf %add3A_958, %gather3A_962 : vector<16xf32>
      %add3A_964 = arith.constant 2575 : i32
      %add3A_965 = vector.broadcast %add3A_964 : i32 to vector<16xi32>
      %add3A_966 = arith.addi %mul3A_5, %add3A_965 : vector<16xi32>
      %gather3A_967 = tpu.vector_load_idx %arg12[%add3A_966] : memref<3200xf32, #tpu.memory_space<vmem>>[vector<16xi32>], vector<16xf32>,
      %add3A_968 = arith.addf %add3A_963, %gather3A_967 : vector<16xf32>
      %swap3A_969 = arith.constant 160 : index
      %swap3A_970 = tpu.vector_load %arg11[%swap3A_969] {strides = array<i32>} : memref<200xf32, #tpu.memory_space<vmem>>, vector<16xf32>,
      tpu.vector_store %arg11[%swap3A_969], %add3A_968 {strides = array<i32>} : memref<200xf32, #tpu.memory_space<vmem>>, vector<16xf32>,
      %add3A_971 = arith.constant 2816 : i32
      %add3A_972 = vector.broadcast %add3A_971 : i32 to vector<16xi32>
      %add3A_973 = arith.addi %mul3A_5, %add3A_972 : vector<16xi32>
      %gather3A_974 = tpu.vector_load_idx %arg12[%add3A_973] : memref<3200xf32, #tpu.memory_space<vmem>>[vector<16xi32>], vector<16xf32>,
      %add3A_975 = arith.constant 2817 : i32
      %add3A_976 = vector.broadcast %add3A_975 : i32 to vector<16xi32>
      %add3A_977 = arith.addi %mul3A_5, %add3A_976 : vector<16xi32>
      %gather3A_978 = tpu.vector_load_idx %arg12[%add3A_977] : memref<3200xf32, #tpu.memory_space<vmem>>[vector<16xi32>], vector<16xf32>,
      %add3A_979 = arith.addf %gather3A_974, %gather3A_978 : vector<16xf32>
      %add3A_980 = arith.constant 2818 : i32
      %add3A_981 = vector.broadcast %add3A_980 : i32 to vector<16xi32>
      %add3A_982 = arith.addi %mul3A_5, %add3A_981 : vector<16xi32>
      %gather3A_983 = tpu.vector_load_idx %arg12[%add3A_982] : memref<3200xf32, #tpu.memory_space<vmem>>[vector<16xi32>], vector<16xf32>,
      %add3A_984 = arith.addf %add3A_979, %gather3A_983 : vector<16xf32>
      %add3A_985 = arith.constant 2819 : i32
      %add3A_986 = vector.broadcast %add3A_985 : i32 to vector<16xi32>
      %add3A_987 = arith.addi %mul3A_5, %add3A_986 : vector<16xi32>
      %gather3A_988 = tpu.vector_load_idx %arg12[%add3A_987] : memref<3200xf32, #tpu.memory_space<vmem>>[vector<16xi32>], vector<16xf32>,
      %add3A_989 = arith.addf %add3A_984, %gather3A_988 : vector<16xf32>
      %add3A_990 = arith.constant 2820 : i32
      %add3A_991 = vector.broadcast %add3A_990 : i32 to vector<16xi32>
      %add3A_992 = arith.addi %mul3A_5, %add3A_991 : vector<16xi32>
      %gather3A_993 = tpu.vector_load_idx %arg12[%add3A_992] : memref<3200xf32, #tpu.memory_space<vmem>>[vector<16xi32>], vector<16xf32>,
      %add3A_994 = arith.addf %add3A_989, %gather3A_993 : vector<16xf32>
      %add3A_995 = arith.constant 2821 : i32
      %add3A_996 = vector.broadcast %add3A_995 : i32 to vector<16xi32>
      %add3A_997 = arith.addi %mul3A_5, %add3A_996 : vector<16xi32>
      %gather3A_998 = tpu.vector_load_idx %arg12[%add3A_997] : memref<3200xf32, #tpu.memory_space<vmem>>[vector<16xi32>], vector<16xf32>,
      %add3A_999 = arith.addf %add3A_994, %gather3A_998 : vector<16xf32>
      %add3A_1000 = arith.constant 2822 : i32
      %add3A_1001 = vector.broadcast %add3A_1000 : i32 to vector<16xi32>
      %add3A_1002 = arith.addi %mul3A_5, %add3A_1001 : vector<16xi32>
      %gather3A_1003 = tpu.vector_load_idx %arg12[%add3A_1002] : memref<3200xf32, #tpu.memory_space<vmem>>[vector<16xi32>], vector<16xf32>,
      %add3A_1004 = arith.addf %add3A_999, %gather3A_1003 : vector<16xf32>
      %add3A_1005 = arith.constant 2823 : i32
      %add3A_1006 = vector.broadcast %add3A_1005 : i32 to vector<16xi32>
      %add3A_1007 = arith.addi %mul3A_5, %add3A_1006 : vector<16xi32>
      %gather3A_1008 = tpu.vector_load_idx %arg12[%add3A_1007] : memref<3200xf32, #tpu.memory_space<vmem>>[vector<16xi32>], vector<16xf32>,
      %add3A_1009 = arith.addf %add3A_1004, %gather3A_1008 : vector<16xf32>
      %add3A_1010 = arith.constant 2824 : i32
      %add3A_1011 = vector.broadcast %add3A_1010 : i32 to vector<16xi32>
      %add3A_1012 = arith.addi %mul3A_5, %add3A_1011 : vector<16xi32>
      %gather3A_1013 = tpu.vector_load_idx %arg12[%add3A_1012] : memref<3200xf32, #tpu.memory_space<vmem>>[vector<16xi32>], vector<16xf32>,
      %add3A_1014 = arith.addf %add3A_1009, %gather3A_1013 : vector<16xf32>
      %add3A_1015 = arith.constant 2825 : i32
      %add3A_1016 = vector.broadcast %add3A_1015 : i32 to vector<16xi32>
      %add3A_1017 = arith.addi %mul3A_5, %add3A_1016 : vector<16xi32>
      %gather3A_1018 = tpu.vector_load_idx %arg12[%add3A_1017] : memref<3200xf32, #tpu.memory_space<vmem>>[vector<16xi32>], vector<16xf32>,
      %add3A_1019 = arith.addf %add3A_1014, %gather3A_1018 : vector<16xf32>
      %add3A_1020 = arith.constant 2826 : i32
      %add3A_1021 = vector.broadcast %add3A_1020 : i32 to vector<16xi32>
      %add3A_1022 = arith.addi %mul3A_5, %add3A_1021 : vector<16xi32>
      %gather3A_1023 = tpu.vector_load_idx %arg12[%add3A_1022] : memref<3200xf32, #tpu.memory_space<vmem>>[vector<16xi32>], vector<16xf32>,
      %add3A_1024 = arith.addf %add3A_1019, %gather3A_1023 : vector<16xf32>
      %add3A_1025 = arith.constant 2827 : i32
      %add3A_1026 = vector.broadcast %add3A_1025 : i32 to vector<16xi32>
      %add3A_1027 = arith.addi %mul3A_5, %add3A_1026 : vector<16xi32>
      %gather3A_1028 = tpu.vector_load_idx %arg12[%add3A_1027] : memref<3200xf32, #tpu.memory_space<vmem>>[vector<16xi32>], vector<16xf32>,
      %add3A_1029 = arith.addf %add3A_1024, %gather3A_1028 : vector<16xf32>
      %add3A_1030 = arith.constant 2828 : i32
      %add3A_1031 = vector.broadcast %add3A_1030 : i32 to vector<16xi32>
      %add3A_1032 = arith.addi %mul3A_5, %add3A_1031 : vector<16xi32>
      %gather3A_1033 = tpu.vector_load_idx %arg12[%add3A_1032] : memref<3200xf32, #tpu.memory_space<vmem>>[vector<16xi32>], vector<16xf32>,
      %add3A_1034 = arith.addf %add3A_1029, %gather3A_1033 : vector<16xf32>
      %add3A_1035 = arith.constant 2829 : i32
      %add3A_1036 = vector.broadcast %add3A_1035 : i32 to vector<16xi32>
      %add3A_1037 = arith.addi %mul3A_5, %add3A_1036 : vector<16xi32>
      %gather3A_1038 = tpu.vector_load_idx %arg12[%add3A_1037] : memref<3200xf32, #tpu.memory_space<vmem>>[vector<16xi32>], vector<16xf32>,
      %add3A_1039 = arith.addf %add3A_1034, %gather3A_1038 : vector<16xf32>
      %add3A_1040 = arith.constant 2830 : i32
      %add3A_1041 = vector.broadcast %add3A_1040 : i32 to vector<16xi32>
      %add3A_1042 = arith.addi %mul3A_5, %add3A_1041 : vector<16xi32>
      %gather3A_1043 = tpu.vector_load_idx %arg12[%add3A_1042] : memref<3200xf32, #tpu.memory_space<vmem>>[vector<16xi32>], vector<16xf32>,
      %add3A_1044 = arith.addf %add3A_1039, %gather3A_1043 : vector<16xf32>
      %add3A_1045 = arith.constant 2831 : i32
      %add3A_1046 = vector.broadcast %add3A_1045 : i32 to vector<16xi32>
      %add3A_1047 = arith.addi %mul3A_5, %add3A_1046 : vector<16xi32>
      %gather3A_1048 = tpu.vector_load_idx %arg12[%add3A_1047] : memref<3200xf32, #tpu.memory_space<vmem>>[vector<16xi32>], vector<16xf32>,
      %add3A_1049 = arith.addf %add3A_1044, %gather3A_1048 : vector<16xf32>
      %swap3A_1050 = arith.constant 176 : index
      %swap3A_1051 = tpu.vector_load %arg11[%swap3A_1050] {strides = array<i32>} : memref<200xf32, #tpu.memory_space<vmem>>, vector<16xf32>,
      tpu.vector_store %arg11[%swap3A_1050], %add3A_1049 {strides = array<i32>} : memref<200xf32, #tpu.memory_space<vmem>>, vector<16xf32>,
      %add3A_1052 = arith.constant 2944 : i32
      %add3A_1053 = vector.broadcast %add3A_1052 : i32 to vector<16xi32>
      %add3A_1054 = arith.addi %mul3A_5, %add3A_1053 : vector<16xi32>
      %gather3A_1055 = tpu.vector_load_idx %arg12[%add3A_1054] : memref<3200xf32, #tpu.memory_space<vmem>>[vector<16xi32>], vector<16xf32>,
      %add3A_1056 = arith.constant 2945 : i32
      %add3A_1057 = vector.broadcast %add3A_1056 : i32 to vector<16xi32>
      %add3A_1058 = arith.addi %mul3A_5, %add3A_1057 : vector<16xi32>
      %gather3A_1059 = tpu.vector_load_idx %arg12[%add3A_1058] : memref<3200xf32, #tpu.memory_space<vmem>>[vector<16xi32>], vector<16xf32>,
      %add3A_1060 = arith.addf %gather3A_1055, %gather3A_1059 : vector<16xf32>
      %add3A_1061 = arith.constant 2946 : i32
      %add3A_1062 = vector.broadcast %add3A_1061 : i32 to vector<16xi32>
      %add3A_1063 = arith.addi %mul3A_5, %add3A_1062 : vector<16xi32>
      %gather3A_1064 = tpu.vector_load_idx %arg12[%add3A_1063] : memref<3200xf32, #tpu.memory_space<vmem>>[vector<16xi32>], vector<16xf32>,
      %add3A_1065 = arith.addf %add3A_1060, %gather3A_1064 : vector<16xf32>
      %add3A_1066 = arith.constant 2947 : i32
      %add3A_1067 = vector.broadcast %add3A_1066 : i32 to vector<16xi32>
      %add3A_1068 = arith.addi %mul3A_5, %add3A_1067 : vector<16xi32>
      %gather3A_1069 = tpu.vector_load_idx %arg12[%add3A_1068] : memref<3200xf32, #tpu.memory_space<vmem>>[vector<16xi32>], vector<16xf32>,
      %add3A_1070 = arith.addf %add3A_1065, %gather3A_1069 : vector<16xf32>
      %add3A_1071 = arith.constant 2948 : i32
      %add3A_1072 = vector.broadcast %add3A_1071 : i32 to vector<16xi32>
      %add3A_1073 = arith.addi %mul3A_5, %add3A_1072 : vector<16xi32>
      %gather3A_1074 = tpu.vector_load_idx %arg12[%add3A_1073] : memref<3200xf32, #tpu.memory_space<vmem>>[vector<16xi32>], vector<16xf32>,
      %add3A_1075 = arith.addf %add3A_1070, %gather3A_1074 : vector<16xf32>
      %add3A_1076 = arith.constant 2949 : i32
      %add3A_1077 = vector.broadcast %add3A_1076 : i32 to vector<16xi32>
      %add3A_1078 = arith.addi %mul3A_5, %add3A_1077 : vector<16xi32>
      %gather3A_1079 = tpu.vector_load_idx %arg12[%add3A_1078] : memref<3200xf32, #tpu.memory_space<vmem>>[vector<16xi32>], vector<16xf32>,
      %add3A_1080 = arith.addf %add3A_1075, %gather3A_1079 : vector<16xf32>
      %add3A_1081 = arith.constant 2950 : i32
      %add3A_1082 = vector.broadcast %add3A_1081 : i32 to vector<16xi32>
      %add3A_1083 = arith.addi %mul3A_5, %add3A_1082 : vector<16xi32>
      %gather3A_1084 = tpu.vector_load_idx %arg12[%add3A_1083] : memref<3200xf32, #tpu.memory_space<vmem>>[vector<16xi32>], vector<16xf32>,
      %add3A_1085 = arith.addf %add3A_1080, %gather3A_1084 : vector<16xf32>
      %add3A_1086 = arith.constant 2951 : i32
      %add3A_1087 = vector.broadcast %add3A_1086 : i32 to vector<16xi32>
      %add3A_1088 = arith.addi %mul3A_5, %add3A_1087 : vector<16xi32>
      %gather3A_1089 = tpu.vector_load_idx %arg12[%add3A_1088] : memref<3200xf32, #tpu.memory_space<vmem>>[vector<16xi32>], vector<16xf32>,
      %add3A_1090 = arith.addf %add3A_1085, %gather3A_1089 : vector<16xf32>
      %add3A_1091 = arith.constant 2952 : i32
      %add3A_1092 = vector.broadcast %add3A_1091 : i32 to vector<16xi32>
      %add3A_1093 = arith.addi %mul3A_5, %add3A_1092 : vector<16xi32>
      %gather3A_1094 = tpu.vector_load_idx %arg12[%add3A_1093] : memref<3200xf32, #tpu.memory_space<vmem>>[vector<16xi32>], vector<16xf32>,
      %add3A_1095 = arith.addf %add3A_1090, %gather3A_1094 : vector<16xf32>
      %add3A_1096 = arith.constant 2953 : i32
      %add3A_1097 = vector.broadcast %add3A_1096 : i32 to vector<16xi32>
      %add3A_1098 = arith.addi %mul3A_5, %add3A_1097 : vector<16xi32>
      %gather3A_1099 = tpu.vector_load_idx %arg12[%add3A_1098] : memref<3200xf32, #tpu.memory_space<vmem>>[vector<16xi32>], vector<16xf32>,
      %add3A_1100 = arith.addf %add3A_1095, %gather3A_1099 : vector<16xf32>
      %add3A_1101 = arith.constant 2954 : i32
      %add3A_1102 = vector.broadcast %add3A_1101 : i32 to vector<16xi32>
      %add3A_1103 = arith.addi %mul3A_5, %add3A_1102 : vector<16xi32>
      %gather3A_1104 = tpu.vector_load_idx %arg12[%add3A_1103] : memref<3200xf32, #tpu.memory_space<vmem>>[vector<16xi32>], vector<16xf32>,
      %add3A_1105 = arith.addf %add3A_1100, %gather3A_1104 : vector<16xf32>
      %add3A_1106 = arith.constant 2955 : i32
      %add3A_1107 = vector.broadcast %add3A_1106 : i32 to vector<16xi32>
      %add3A_1108 = arith.addi %mul3A_5, %add3A_1107 : vector<16xi32>
      %gather3A_1109 = tpu.vector_load_idx %arg12[%add3A_1108] : memref<3200xf32, #tpu.memory_space<vmem>>[vector<16xi32>], vector<16xf32>,
      %add3A_1110 = arith.addf %add3A_1105, %gather3A_1109 : vector<16xf32>
      %add3A_1111 = arith.constant 2956 : i32
      %add3A_1112 = vector.broadcast %add3A_1111 : i32 to vector<16xi32>
      %add3A_1113 = arith.addi %mul3A_5, %add3A_1112 : vector<16xi32>
      %gather3A_1114 = tpu.vector_load_idx %arg12[%add3A_1113] : memref<3200xf32, #tpu.memory_space<vmem>>[vector<16xi32>], vector<16xf32>,
      %add3A_1115 = arith.addf %add3A_1110, %gather3A_1114 : vector<16xf32>
      %add3A_1116 = arith.constant 2957 : i32
      %add3A_1117 = vector.broadcast %add3A_1116 : i32 to vector<16xi32>
      %add3A_1118 = arith.addi %mul3A_5, %add3A_1117 : vector<16xi32>
      %gather3A_1119 = tpu.vector_load_idx %arg12[%add3A_1118] : memref<3200xf32, #tpu.memory_space<vmem>>[vector<16xi32>], vector<16xf32>,
      %add3A_1120 = arith.addf %add3A_1115, %gather3A_1119 : vector<16xf32>
      %add3A_1121 = arith.constant 2958 : i32
      %add3A_1122 = vector.broadcast %add3A_1121 : i32 to vector<16xi32>
      %add3A_1123 = arith.addi %mul3A_5, %add3A_1122 : vector<16xi32>
      %gather3A_1124 = tpu.vector_load_idx %arg12[%add3A_1123] : memref<3200xf32, #tpu.memory_space<vmem>>[vector<16xi32>], vector<16xf32>,
      %add3A_1125 = arith.addf %add3A_1120, %gather3A_1124 : vector<16xf32>
      %add3A_1126 = arith.constant 2959 : i32
      %add3A_1127 = vector.broadcast %add3A_1126 : i32 to vector<16xi32>
      %add3A_1128 = arith.addi %mul3A_5, %add3A_1127 : vector<16xi32>
      %gather3A_1129 = tpu.vector_load_idx %arg12[%add3A_1128] : memref<3200xf32, #tpu.memory_space<vmem>>[vector<16xi32>], vector<16xf32>,
      %add3A_1130 = arith.addf %add3A_1125, %gather3A_1129 : vector<16xf32>
      %swap3A_1131 = arith.constant 184 : index
      %swap3A_1132 = tpu.vector_load %arg11[%swap3A_1131] {strides = array<i32>} : memref<200xf32, #tpu.memory_space<vmem>>, vector<16xf32>,
      tpu.vector_store %arg11[%swap3A_1131], %add3A_1130 {strides = array<i32>} : memref<200xf32, #tpu.memory_space<vmem>>, vector<16xf32>,
      %mul3A_1133 = arith.constant 200 : i32
      %mul3A_1134 = arith.muli %scan3A_42, %mul3A_1133 : i32
      %add3A_1135 = arith.addi %mul3A_2, %mul3A_1134 : i32
      %dma_start3A_1136 = tpu.memref_slice %arg6[%add3A_1135] : memref<320000xf32, #tpu.memory_space<hbm>> -> memref<200xf32, #tpu.memory_space<hbm>>
      %dma_start3A_1137 = tpu.memref_slice %arg6[%add3A_1135] : memref<320000xf32, #tpu.memory_space<hbm>> -> memref<200xf32, #tpu.memory_space<hbm>>
      tpu.enqueue_dma source(%arg11 : memref<200xf32, #tpu.memory_space<vmem>>) target(%dma_start3A_1137 : memref<200xf32, #tpu.memory_space<hbm>>) target_semaphore(%arg15 : memref<!tpu.dma_semaphore, #tpu.memory_space<semaphore_mem>>)
      %sub3A = arith.constant 1 : i32
      %sub3A_1138 = arith.subi %sub3A, %scan3A_43 : i32
      scf.yield %sub3A_1138 : i32
    }
    %scan3A_37 = arith.constant 50 : i32
    %dma_wait3A_38 = arith.constant 0 : i32
    %dma_wait3A_39 = tpu.memref_slice %arg6[%dma_wait3A_38] : memref<320000xf32, #tpu.memory_space<hbm>> -> memref<200xf32, #tpu.memory_space<hbm>>
    %dma_wait3A_40 = arith.constant 0 : i32
    %dma_wait3A_41 = tpu.memref_slice %arg6[%dma_wait3A_40] : memref<320000xf32, #tpu.memory_space<hbm>> -> memref<200xf32, #tpu.memory_space<hbm>>
    tpu.wait_dma2 semaphore(%arg15 : memref<!tpu.dma_semaphore, #tpu.memory_space<semaphore_mem>>) src(%arg11 : memref<200xf32, #tpu.memory_space<vmem>>) dst(%dma_wait3A_41 : memref<200xf32, #tpu.memory_space<hbm>>)
    return
  }
}

</mosaic_0001>

<sc_bundles>
// kernel: _run.3.cloned.1.call-start
scs
__scs_entry_jumppad:
0x0: {  	(pc) =	sbr.rel $0x88, $3  }
0x1: {  	(tag) =	ssettag $0x0;
	lr =	simm.s32 $0x1  }
0x2: {  	[smem:$0x3F9D] =	sst lr;
	_ =	strace $0xD0000000  }
0x3: {  	_ = 	snop  }
0x4: {  	_ = 	snop  }
0x5: {  	_ = 	snop  }
0x6: {  	_ = 	snop  }
0x7: {  	_ = 	snop  }
__scs_overlays_trampoline_lowered:
0x8: {  	[smem:$0x3FAC] =	sst s0  }
0x9: {  	[smem:$0x3FAD] =	sst s1  }
0xa: {  	[smem:$0x3FAE] =	sst s2  }
0xb: {  	[smem:$0x3FAF] =	sst s3  }
0xc: {  	[smem:$0x3FB0] =	sst s4  }
0xd: {  	[smem:$0x3FB1] =	sst s5  }
0xe: {  	[smem:$0x3FB2] =	sst s6  }
0xf: {  	[smem:$0x3FB3] =	sst s7  }
0x10: {  	[smem:$0x3FB4] =	sst s8  }
0x11: {  	[smem:$0x3FB5] =	sst s9;
	s0 =	simm.s32 @!p0 $0x0  }
0x12: {  	s1 =	sld [smem:$0x3F9B];
	s0 =	simm.s32 @p0 $0x1  }
0x13: {  	[smem:$0x3FB6] =	sst s0;
	s0 =	simm.s32 @!p1 $0x0  }
0x14: {  	s2 =	sld [smem:$0x3F9A];
	s0 =	simm.s32 @p1 $0x1  }
0x15: {  	[smem:$0x3FB7] =	sst s0;
	s0 =	simm.s32 @!p2 $0x0  }
0x16: {  	s3 =	sld [smem:$0x3FDB];
	s0 =	simm.s32 @p2 $0x1  }
0x17: {  	s4 =	simm.s32 $0x1BF5;
	[smem:$0x3FB9] =	sst s0  }
0x18: {  	s0 =	sld [smem:$0x3F9C];
	_ =	swait.ge [sflag:s4], $0x0  }
0x19: {  	s7 =	sld [smem:$0x3F9D]  }
0x1a: {  	s8 =	sadd.s32 $0xFFFFE003, lr  }
0x1b: {  	s9 =	sadd.s32 $0xFFFFFEF7, lr;
	s5 =	simm.s32 $0xFFFFFFFF;
	p2 =	slt.u32 s8, $0xFFFFF086  }
0x1c: {  	p1 =	slt.u32 s9, $0xF7A;
	s5 =	simm.s32 @!p2 $0x0  }
0x1d: {  	s5 =	simm.s32 @p1 $0x1;
	p0 =	seq.s32 s7, s2  }
0x1e: {  	s7 =	smul.u32 @!p0 $0xF7A, s2;
	p2 =	seq.s32 @!p0 s5, $0x0  }
0x1f: {  	s9 =	smul.u32 $0xF7A, s1;
	s8 =	simm.s32 @!p0 $0x1BF5;
	p2 =	por !p2, p0  }
0x20: {  	[sflag:s8] =	ssyncset.s32 @!p0 $0xFFFFF086;
	s6 =	sadd.s32 @!p0 s3, s7;
	s7 =	simm.s32 @!p0 $0x108  }
0x21: {  	s3 =	sadd.s32 s3, s9;
	s6 =	sadd.s32 @!p0 $0x88, s6;
	s7 =	simm.s32 @p2 $0x1082  }
0x22: {  	[simem:s7], [sflag:s8] =	dma.local @!p0 [hbm:s6], $0xF7A  }
0x23: {  	s9 =	sor.u32 $0xD0000000, s2;
	s6 =	simm.s32 $0x108;
	_ =	swait.ge @!p0 [sflag:s8], $0x0  }
0x24: {  	s3 =	sadd.s32 $0x88, s3;
	s6 =	simm.s32 @!p1 $0x1082;
	[sflag:s4] =	ssyncset.s32 $0xFFFFF086  }
0x25: {  	[simem:s6], [sflag:s4] =	dma.local [hbm:s3], $0xF7A  }
0x26: {  	[smem:$0x3F9D] =	sst s1;
	(tag) =	ssettag s2;
	_ =	strace s9  }
0x27: {  	s1 =	sld [smem:$0x3FAD]  }
0x28: {  	s2 =	sld [smem:$0x3FAE]  }
0x29: {  	s4 =	sld [smem:$0x3FB0]  }
0x2a: {  	p0 =	seq.s32 s5, $0x0;
	s5 =	sld [smem:$0x3FB1]  }
0x2b: {  	s6 =	sld [smem:$0x3FB2]  }
0x2c: {  	s7 =	sld [smem:$0x3FB3]  }
0x2d: {  	s3 =	simm.s32 $0x108;
	s8 =	sld [smem:$0x3FB4]  }
0x2e: {  	s3 =	simm.s32 @!p0 $0x1082;
	s9 =	sld [smem:$0x3FB5]  }
0x2f: {  	lr =	sadd.s32 s0, s3;
	s0 =	sld [smem:$0x3FAC]  }
0x30: {  	s3 =	sld [smem:$0x3FAF]  }
0x31: {  	[smem:$0x3FB8] =	sst s10  }
0x32: {  	s10 =	sld [smem:$0x3FB6];
	_ =	sdelay $0x3  }
0x33: {  	p0 =	seq.s32 s10, $0x1;
	s10 =	sld [smem:$0x3FB8];
	_ =	sdelay $0x3  }
0x34: {  	[smem:$0x3FB8] =	sst s10  }
0x35: {  	s10 =	sld [smem:$0x3FB7];
	_ =	sdelay $0x3  }
0x36: {  	p1 =	seq.s32 s10, $0x1;
	s10 =	sld [smem:$0x3FB8];
	_ =	sdelay $0x3  }
0x37: {  	[smem:$0x3FB8] =	sst s10  }
0x38: {  	s10 =	sld [smem:$0x3FB9]  }
0x39: {  	_ = 	snop;
	(pc) =	sbr.ind lr, $3  }
0x3a: {  	_ = 	snop  }
0x3b: {  	_ = 	snop  }
0x3c: {  	p2 =	seq.s32 s10, $0x1;
	s10 =	sld [smem:$0x3FB8]  }
0x3d: {  	_ =	shalt  }
0x3e: {  	_ =	shalt  }
0x3f: {  	_ =	shalt  }
0x40: {  	_ =	shalt  }
0x41: {  	_ =	shalt  }
0x42: {  	_ =	shalt  }
0x43: {  	_ =	shalt  }
0x44: {  	_ =	shalt  }
0x45: {  	_ =	shalt  }
0x46: {  	_ =	shalt  }
0x47: {  	_ =	shalt  }
0x48: {  	_ =	shalt  }
0x49: {  	_ =	shalt  }
0x4a: {  	_ =	shalt  }
0x4b: {  	_ =	shalt  }
0x4c: {  	_ =	shalt  }
0x4d: {  	_ =	shalt  }
0x4e: {  	_ =	shalt  }
0x4f: {  	_ =	shalt  }
0x50: {  	_ =	shalt  }
0x51: {  	_ =	shalt  }
0x52: {  	_ =	shalt  }
0x53: {  	_ =	shalt  }
0x54: {  	_ =	shalt  }
0x55: {  	_ =	shalt  }
0x56: {  	_ =	shalt  }
0x57: {  	_ =	shalt  }
0x58: {  	_ =	shalt  }
0x59: {  	_ =	shalt  }
0x5a: {  	_ =	shalt  }
0x5b: {  	_ =	shalt  }
0x5c: {  	_ =	shalt  }
0x5d: {  	_ =	shalt  }
0x5e: {  	_ =	shalt  }
0x5f: {  	_ =	shalt  }
0x60: {  	_ =	shalt  }
0x61: {  	_ =	shalt  }
0x62: {  	_ =	shalt  }
0x63: {  	_ =	shalt  }
0x64: {  	_ =	shalt  }
0x65: {  	_ =	shalt  }
0x66: {  	_ =	shalt  }
0x67: {  	_ =	shalt  }
0x68: {  	_ =	shalt  }
0x69: {  	_ =	shalt  }
0x6a: {  	_ =	shalt  }
0x6b: {  	_ =	shalt  }
0x6c: {  	_ =	shalt  }
0x6d: {  	_ =	shalt  }
0x6e: {  	_ =	shalt  }
0x6f: {  	_ =	shalt  }
0x70: {  	_ =	shalt  }
0x71: {  	_ =	shalt  }
0x72: {  	_ =	shalt  }
0x73: {  	_ =	shalt  }
0x74: {  	_ =	shalt  }
0x75: {  	_ =	shalt  }
0x76: {  	_ =	shalt  }
0x77: {  	_ =	shalt  }
0x78: {  	_ =	shalt  }
0x79: {  	_ =	shalt  }
0x7a: {  	_ =	shalt  }
0x7b: {  	_ =	shalt  }
0x7c: {  	_ =	shalt  }
0x7d: {  	_ =	shalt  }
0x7e: {  	_ =	shalt  }
0x7f: {  	_ =	shalt  }
0x80: {  	_ =	shalt  }
0x81: {  	_ =	shalt  }
0x82: {  	_ =	shalt  }
0x83: {  	_ =	shalt  }
0x84: {  	_ =	shalt  }
0x85: {  	_ =	shalt  }
0x86: {  	_ =	shalt  }
0x87: {  	_ =	shalt  }
.Lfunc_end0:
.L_simem_size_0:
called_computation_lowered:
.L_overlay_start_0:
0x88: {  	s2 =	sld [smem:$0x3FD9]  }
0x89: {  	s3 =	sld [smem:$0x3FFE];
	_ =	sdelay $0x1  }
0x8a: {  	s1 =	srdreg.scid  }
0x8b: {  	s0 =	sand.u32 $0x1, s1  }
0x8c: {  	s18 =	sshll.u32 s0, $0xA;
	s2 =	sadd.s32 s3, s2  }
0x8d: {  	s2 =	sadd.s32 s2, s18  }
0x8e: {  	[smem:$0x3FC4] =	sst s2  }
0x8f: {  	_ = 	snop  }
0x90: {  	s2 =	sld [smem:$0x3FC9]  }
0x91: {  	s19 =	sld [smem:$0x3FC8]  }
0x92: {  	s4 =	sld [smem:$0x3FC7]  }
0x93: {  	s5 =	sld [smem:$0x3FC6]  }
0x94: {  	s6 =	sld [smem:$0x3FD0];
	(tm) =	ssettm $0x1  }
0x95: {  	s7 =	sld [smem:$0x3FFB];
	_ =	sdelay $0x3  }
0x96: {  	_ =	strace s7  }
0x97: {  	s7 =	sld [smem:$0x3FFC];
	_ =	sdelay $0x3  }
0x98: {  	_ =	strace s7  }
0x99: {  	s7 =	sld [smem:$0x3FFD];
	_ =	sdelay $0x3  }
0x9a: {  	_ =	strace s7  }
0x9b: {  	_ =	strace $0x8FFFFFFF  }
0x9c: {  	s20 =	sld [smem:$0x3FDB];
	_ =	sdelay $0x1  }
0x9d: {  	s8 =	simm.s32 $_scs_section_size  }
0x9e: {  	s9 =	simm.s32 $_size__tile_overlayer_lowered;
	s10 =	simm.s32 $_tile_overlayer_lowered  }
0x9f: {  	s23 =	simm.s32 $0x1BFF;
	s22 =	sshll.u32 s10, $0x1;
	s7 =	sadd.s32 s8, s20  }
0xa0: {  	s11 =	simm.s32 $0x0;
	s21 =	sshll.u32 s9, $0x1;
	s9 =	sadd.s32 s22, s7  }
0xa1: {  	[timem:s11], [sflag:s23] =	dma.local [hbm:s9], s21  }
0xa2: {  	_ =	swait.ge [sflag:s23], s21  }
0xa3: {  	s8 =	ssub.s32 $0x0, s21;
	[sflag:s23] =	ssyncset.done $0x0  }
0xa4: {  	[sflag:s23] =	ssyncadd.s32 s8;
	_ =	sdelay $0x1  }
0xa5: {  	s24 =	simm.s32 $0x1B8B  }
0xa6: {  	_ =	swait.ge [sflag:s24], $0x1  }
0xa7: {  	[sflag:s24] =	ssyncset.done $0x0  }
0xa8: {  	s25 =	simm.s32 $0x1B8E;
	[sflag:s24] =	ssyncadd.s32 $0xFFFFFFFF  }
0xa9: {  	s26 =	simm.s32 $execute0_lowered;
	[smem:$0x3FD2] =	sst s25  }
0xaa: {  	s8 =	sshll.u32 s26, $0x1;
	_ =	strace $0x80000046;
	[dreg:$0x1] =	wrdreg $0xFFFFFFFF  }
0xab: {  	s28 =	simm.s32 $_size_execute0_lowered;
	s7 =	sadd.s32 s7, s8;
	[dreg:$0x0] =	wrdreg $0x0  }
0xac: {  	s8 =	sshll.u32 s28, $0x1;
	[dreg:$0x2] =	wrdreg s7  }
0xad: {  	[dreg:$0x3] =	wrdreg s8  }
0xae: {  	[dreg:$0x4] =	wrdreg $0xC0  }
0xaf: {  	_ =	task [dreg:s11], $0x5FFFF  }
0xb0: {  	[dreg:$0x1] =	wrdreg $0xFFFFFFFF  }
0xb1: {  	[dreg:$0x0] =	wrdreg $0x60  }
0xb2: {  	[dreg:$0x2] =	wrdreg s19  }
0xb3: {  	[dreg:$0x3] =	wrdreg s2  }
0xb4: {  	[dreg:$0x4] =	wrdreg s4  }
0xb5: {  	[dreg:$0x5] =	wrdreg s5  }
0xb6: {  	[dreg:$0x6] =	wrdreg s6  }
0xb7: {  	[dreg:$0x7] =	wrdreg $0x9  }
0xb8: {  	_ =	task.clear_ibuf [dreg:s11], $0x8FFFF;
	_ =	strace $0x90000046  }
0xb9: {  	s29 =	simm.s32 $0x9;
	_ =	strace $0x80000048  }
0xba: {  	_ =	swait.ge [sflag:s29], $0x1  }
0xbb: {  	[sflag:s29] =	ssyncadd.s32 $0xFFFFFFFF  }
0xbc: {  	_ =	strace $0x90000048  }
0xbd: {  	_ =	sfence  }
0xbe: {  	s30 =	sld [smem:$0x0];
	_ =	sdelay $0x2  }
0xbf: {  	s31 =	sshll.u32 s1, $0xD;
	s1 =	sshrl.u32 s1, $0x2  }
0xc0: {  	s3 =	sand.u32 $0x4000, s31;
	s1 =	sadd.s32 s1, s30  }
0xc1: {  	s0 =	sor.u32 s3, s0;
	s1 =	sshll.u32 s1, $0x11  }
0xc2: {  	s0 =	sor.u32 s1, s0  }
0xc3: {  	s0 =	sadd.s32 $0x8F2B, s0  }
0xc4: {  	[sflag:s0] =	ssyncadd.remote.s32 $0x1  }
0xc5: {  	_ =	sfence.sel $0xFFFF  }
0xc6: {  	[dreg:$0x0] =	wrdreg $0xFFFFFFFF;
	(pc) =	sbr.abs _section_cstart, $3  }
0xc7: {  	[dreg:$0x1] =	wrdreg $0xFFFFFFFF  }
0xc8: {  	_ =	task.clear_ibuf [dreg:s11], $0x2FFFF;
	_ =	strace $0x9FFFFFFF  }
0xc9: {  	(tm) =	ssettm $0x7FFFFFFF  }
tec
execute0_lowered:
.L_overlay_start_1:
0x0: {  	(tag) =	ssettag $0x1  }
0x1: {  	v0 =	vlaneseq.u32  }
0x2: {  	v0 =	vmul.u32 $0x10, v0;
	_ =	sdelay $0x1  }
0x3: {  	v1 =	vor.u32 $0x1, v0  }
0x4: {  	[tilespmem:$0x1FC10] =	vst v1;
	v1 =	vor.u32 $0x2, v0  }
0x5: {  	[tilespmem:$0x1FC20] =	vst v1;
	v1 =	vor.u32 $0x3, v0  }
0x6: {  	[tilespmem:$0x1FC30] =	vst v1;
	v1 =	vor.u32 $0x4, v0  }
0x7: {  	[tilespmem:$0x1FC40] =	vst v1;
	v1 =	vor.u32 $0x5, v0  }
0x8: {  	[tilespmem:$0x1FC50] =	vst v1;
	v1 =	vor.u32 $0x6, v0  }
0x9: {  	[tilespmem:$0x1FC60] =	vst v1;
	v1 =	vor.u32 $0x7, v0  }
0xa: {  	[tilespmem:$0x1FC70] =	vst v1;
	v1 =	vor.u32 $0x8, v0  }
0xb: {  	[tilespmem:$0x1FC80] =	vst v1;
	v1 =	vor.u32 $0x9, v0  }
0xc: {  	[tilespmem:$0x1FC90] =	vst v1;
	v1 =	vor.u32 $0xA, v0  }
0xd: {  	[tilespmem:$0x1FCA0] =	vst v1;
	v1 =	vor.u32 $0xB, v0  }
0xe: {  	[tilespmem:$0x1FCB0] =	vst v1;
	v1 =	vor.u32 $0xC, v0  }
0xf: {  	[tilespmem:$0x1FCC0] =	vst v1;
	v1 =	vor.u32 $0xD, v0  }
0x10: {  	[tilespmem:$0x1FCD0] =	vst v1;
	v1 =	vor.u32 $0xE, v0  }
0x11: {  	[tilespmem:$0x1FCE0] =	vst v1;
	v1 =	vor.u32 $0xF, v0  }
0x12: {  	[tilespmem:$0x1FCF0] =	vst v1;
	v1 =	vor.u32 $0x100, v0  }
0x13: {  	[tilespmem:$0x1FD00] =	vst v1;
	v1 =	vor.u32 $0x101, v0  }
0x14: {  	[tilespmem:$0x1FD10] =	vst v1;
	v1 =	vor.u32 $0x102, v0  }
0x15: {  	[tilespmem:$0x1FD20] =	vst v1;
	v1 =	vor.u32 $0x103, v0  }
0x16: {  	[tilespmem:$0x1FD30] =	vst v1;
	v1 =	vor.u32 $0x104, v0  }
0x17: {  	[tilespmem:$0x1FD40] =	vst v1;
	v1 =	vor.u32 $0x105, v0  }
0x18: {  	[tilespmem:$0x1FD50] =	vst v1;
	v1 =	vor.u32 $0x106, v0  }
0x19: {  	[tilespmem:$0x1FD60] =	vst v1;
	v1 =	vor.u32 $0x107, v0  }
0x1a: {  	[tilespmem:$0x1FD70] =	vst v1;
	v1 =	vor.u32 $0x108, v0  }
0x1b: {  	[tilespmem:$0x1FD80] =	vst v1;
	v1 =	vor.u32 $0x109, v0  }
0x1c: {  	[tilespmem:$0x1FD90] =	vst v1;
	v1 =	vor.u32 $0x10A, v0  }
0x1d: {  	[tilespmem:$0x1FDA0] =	vst v1;
	v1 =	vor.u32 $0x10B, v0  }
0x1e: {  	[tilespmem:$0x1FDB0] =	vst v1;
	v1 =	vor.u32 $0x10C, v0  }
0x1f: {  	[tilespmem:$0x1FDC0] =	vst v1;
	v1 =	vor.u32 $0x10D, v0  }
0x20: {  	[tilespmem:$0x1FDD0] =	vst v1;
	v1 =	vor.u32 $0x10E, v0  }
0x21: {  	[tilespmem:$0x1FDE0] =	vst v1;
	v1 =	vor.u32 $0x10F, v0  }
0x22: {  	[tilespmem:$0x1FDF0] =	vst v1;
	v1 =	vor.u32 $0x200, v0  }
0x23: {  	[tilespmem:$0x1FE00] =	vst v1;
	v1 =	vor.u32 $0x201, v0  }
0x24: {  	[tilespmem:$0x1FE10] =	vst v1;
	v1 =	vor.u32 $0x202, v0  }
0x25: {  	[tilespmem:$0x1FE20] =	vst v1;
	v1 =	vor.u32 $0x203, v0  }
0x26: {  	[tilespmem:$0x1FE30] =	vst v1;
	v1 =	vor.u32 $0x204, v0  }
0x27: {  	[tilespmem:$0x1FE40] =	vst v1;
	v1 =	vor.u32 $0x205, v0  }
0x28: {  	[tilespmem:$0x1FE50] =	vst v1;
	v1 =	vor.u32 $0x206, v0  }
0x29: {  	[tilespmem:$0x1FE60] =	vst v1;
	v1 =	vor.u32 $0x207, v0  }
0x2a: {  	[tilespmem:$0x1FE70] =	vst v1;
	v1 =	vor.u32 $0x208, v0  }
0x2b: {  	[tilespmem:$0x1FE80] =	vst v1;
	v1 =	vor.u32 $0x209, v0  }
0x2c: {  	[tilespmem:$0x1FE90] =	vst v1;
	v1 =	vor.u32 $0x20A, v0  }
0x2d: {  	s0 =	rddreg [dreg:$0x0];
	[tilespmem:$0x1FEA0] =	vst v1;
	v1 =	vor.u32 $0x20B, v0  }
0x2e: {  	s1 =	rddreg [dreg:$0x1];
	[tilespmem:$0x1FEB0] =	vst v1;
	v1 =	vor.u32 $0x20C, v0  }
0x2f: {  	s7 =	rddreg [dreg:$0x2];
	[tilespmem:$0x1FEC0] =	vst v1;
	v1 =	vor.u32 $0x20D, v0  }
0x30: {  	s3 =	srdreg.scid;
	s9 =	rddreg [dreg:$0x3];
	[tilespmem:$0x1FED0] =	vst v1;
	v1 =	vor.u32 $0x20E, v0  }
0x31: {  	s2 =	stileid.u32;
	s4 =	rddreg [dreg:$0x4];
	[tilespmem:$0x1FEE0] =	vst v1;
	v1 =	vor.u32 $0x20F, v0  }
0x32: {  	s6 =	simm.s32 $0x0;
	s8 =	sand.u32 $0x1, s3;
	s31 =	sshll.u32 s2, $0x1;
	[tilespmem:$0x1FEF0] =	vst v1;
	v1 =	vor.u32 $0x300, v0  }
0x33: {  	[smem:$0x7FF] =	sst s6;
	s3 =	sor.u32 s8, s31;
	[tilespmem:$0x1FF00] =	vst v1;
	v1 =	vor.u32 $0x301, v0  }
0x34: {  	s5 =	smul.u32 $0x2710, s3;
	s3 =	rddreg [dreg:$0x5];
	_ =	strace $0x80000047;
	[tilespmem:$0x1FF10] =	vst v1;
	v1 =	vor.u32 $0x302, v0  }
0x35: {  	[tilespmem:$0x1FF20] =	vst v1;
	v1 =	vor.u32 $0x303, v0  }
0x36: {  	[tilespmem:$0x1FF30] =	vst v1;
	v1 =	vor.u32 $0x304, v0  }
0x37: {  	[tilespmem:$0x1FF40] =	vst v1;
	v1 =	vor.u32 $0x305, v0  }
0x38: {  	[tilespmem:$0x1FF50] =	vst v1;
	v1 =	vor.u32 $0x306, v0  }
0x39: {  	[tilespmem:$0x1FF60] =	vst v1;
	v1 =	vor.u32 $0x307, v0  }
0x3a: {  	[tilespmem:$0x1FF70] =	vst v1;
	v1 =	vor.u32 $0x308, v0  }
0x3b: {  	[tilespmem:$0x1FF80] =	vst v1;
	v1 =	vor.u32 $0x309, v0  }
0x3c: {  	[tilespmem:$0x1FF90] =	vst v1;
	v1 =	vor.u32 $0x30A, v0  }
0x3d: {  	s12 =	simm.s32 $0x2;
	s13 =	simm.s32 $0xC8;
	[tilespmem:$0x1FFA0] =	vst v1;
	v1 =	vor.u32 $0x30B, v0  }
0x3e: {  	s14 =	simm.s32 $0x4F00;
	s15 =	simm.s32 $0x11700;
	s16 =	simm.s32 $0x1E000;
	[tilespmem:$0x1FFB0] =	vst v1;
	v1 =	vor.u32 $0x30C, v0  }
0x3f: {  	s17 =	simm.s32 $0x1DF00;
	s18 =	simm.s32 $0x3;
	s8 =	ssub.s32 $0x2, s8;
	[tilespmem:$0x1FFC0] =	vst v1;
	v1 =	vor.u32 $0x30D, v0  }
0x40: {  	s19 =	simm.s32 $0x0;
	s10 =	sshrl.u32 s8, $0x1;
	s11 =	sshrl.u32 s5, $0x3;
	[tilespmem:$0x1FFD0] =	vst v1;
	v1 =	vor.u32 $0x30E, v0  }
0x41: {  	s10 =	ssub.s32 s8, s10;
	s7 =	sadd.s32 s7, s11;
	s8 =	sadd.s32 s9, s11;
	[tilespmem:$0x1FFE0] =	vst v1;
	v1 =	vor.u32 $0x30F, v0  }
0x42: {  	s9 =	smax.u32 s10, $0x1;
	s10 =	simm.s32 $0x2780;
	s11 =	simm.s32 $0x1;
	[tilespmem:$0x1FFF0] =	vst v1  }
.LBB2_1:
0x43: {  	[tilespmem:s6], [sflag:$0x1] =	stream.linear.gather [hbm4b:s7+s6], $0x2710, $0x38;
	[tilespmem:$0x1EC80] =	vst v63  }
0x44: {  	_ = 	snop  }
0x45: {  	[tilespmem:s10], [sflag:$0x2] =	stream.linear.gather [hbm4b:s8+s6], $0x2710, $0x38;
	[tilespmem:$0x1EC80] =	vst v63  }
0x46: {  	_ =	swait.ge [sflag:s11], $0x2710  }
0x47: {  	[sflag:s11] =	ssyncset.done $0x0  }
0x48: {  	[sflag:s11] =	ssyncadd.s32 $0xFFFFD8F0  }
0x49: {  	_ =	swait.ge [sflag:s12], $0x2710  }
0x4a: {  	[sflag:s12] =	ssyncset.done $0x0  }
0x4b: {  	[sflag:s12] =	ssyncadd.s32 $0xFFFFD8F0  }
0x4c: {  	[tilespmem:s14], [sflag:$0x1] =	stream.indirect.gather [hbm4b:s0+s13], $0x80, s6, s13, $0xb8;
	[tilespmem:$0x1EC80] =	vst v63  }
0x4d: {  	s20 =	simm.s32 $0x0;
	s21 =	simm.s32 $0x0  }
0x4e: {  	[tilespmem:s15], [sflag:$0x2] =	stream.indirect.gather [hbm4b:s1+s13], $0x80, s10, s13, $0xb8;
	[tilespmem:$0x1EC80] =	vst v63  }
.LBB2_2:
0x4f: {  	_ =	swait.ge [sflag:s11], $0x6400  }
0x50: {  	p0 =	seq.s32 s21, $0x31;
	[sflag:s11] =	ssyncset.done $0x0  }
0x51: {  	s29 =	smul.u32 $0x19000, s20;
	s23 =	sxor.u32 @!p0 $0x1, s20;
	[sflag:s11] =	ssyncadd.s32 $0xFFFF9C00  }
0x52: {  	s22 =	sadd.s32 $0x1, s21;
	s23 =	smul.u32 @!p0 $0x6400, s23;
	_ =	swait.ge [sflag:s12], $0x6400  }
0x53: {  	s24 =	smul.u32 @!p0 $0xC8, s22;
	s26 =	simm.s32 @!p0 $0xC8;
	[sflag:s12] =	ssyncset.done $0x0  }
0x54: {  	s30 =	sshra.s32 s29, $0x2;
	s25 =	sadd.s32 @!p0 $0x4F00, s23;
	[sflag:s12] =	ssyncadd.s32 $0xFFFF9C00  }
0x55: {  	[tilespmem:s25], [sflag:$0x1] =	stream.indirect.gather @!p0 [hbm4b:s0+s26], $0x80, s24, s26, $0xb8;
	[tilespmem:$0x1EC80] =	vst v63  }
0x56: {  	s31 =	sadd.s32 $0x5100, s30;
	s23 =	sadd.s32 @!p0 $0x11700, s23;
	s24 =	sadd.s32 @!p0 $0x2780, s24  }
0x57: {  	[tilespmem:s23], [sflag:$0x2] =	stream.indirect.gather @!p0 [hbm4b:s1+s26], $0x80, s24, s26, $0xb8;
	[tilespmem:$0x1EC80] =	vst v63  }
0x58: {  	s23 =	sadd.s32 $0x11900, s30;
	v1 =	vld [tilespmem:s31+$0x180]  }
0x59: {  	v2 =	vld [tilespmem:s23+$0x180]  }
0x5a: {  	v3 =	vld [tilespmem:s31+$0x190]  }
0x5b: {  	v4 =	vld [tilespmem:s23+$0x190]  }
0x5c: {  	v5 =	vld [tilespmem:s31+$0x1A0]  }
0x5d: {  	v6 =	vld [tilespmem:s23+$0x1A0]  }
0x5e: {  	v7 =	vld [tilespmem:s31+$0x1B0]  }
0x5f: {  	v8 =	vld [tilespmem:s23+$0x1B0]  }
0x60: {  	v9 =	vld [tilespmem:s31+$0x1C0]  }
0x61: {  	v10 =	vld [tilespmem:s23+$0x1C0]  }
0x62: {  	v11 =	vld [tilespmem:s31+$0x1D0]  }
0x63: {  	v17 =	vld [tilespmem:s23+$0xFFFFFE00]  }
0x64: {  	v12 =	vld [tilespmem:s23+$0x1D0]  }
0x65: {  	v13 =	vld [tilespmem:s31+$0x1E0]  }
0x66: {  	v14 =	vld [tilespmem:s23+$0x1E0]  }
0x67: {  	v15 =	vld [tilespmem:s31+$0x1F0]  }
0x68: {  	v16 =	vld [tilespmem:s23+$0x1F0];
	[tilespmem:$0x1FAD0] =	vst v17  }
0x69: {  	v18 =	vld [tilespmem:s31+$0xFFFFFE10]  }
0x6a: {  	v19 =	vld [tilespmem:s23+$0xFFFFFE10]  }
0x6b: {  	v20 =	vld [tilespmem:s31+$0xFFFFFE80]  }
0x6c: {  	v21 =	vld [tilespmem:s23+$0xFFFFFE80]  }
0x6d: {  	v22 =	vld [tilespmem:s31+$0xFFFFFE90]  }
0x6e: {  	v23 =	vld [tilespmem:s23+$0xFFFFFE90]  }
0x6f: {  	v24 =	vld [tilespmem:s31+$0xFFFFFF00]  }
0x70: {  	v25 =	vld [tilespmem:s23+$0xFFFFFF00]  }
0x71: {  	v26 =	vld [tilespmem:s31+$0xFFFFFF10]  }
0x72: {  	v27 =	vld [tilespmem:s23+$0xFFFFFF10]  }
0x73: {  	v28 =	vld [tilespmem:s31+$0xFFFFFF80]  }
0x74: {  	v29 =	vld [tilespmem:s23+$0xFFFFFF80]  }
0x75: {  	v30 =	vld [tilespmem:s31+$0xFFFFFF90]  }
0x76: {  	v31 =	vld [tilespmem:s23+$0xFFFFFF90]  }
0x77: {  	v32 =	vld [tilespmem:s31+$0x0]  }
0x78: {  	v33 =	vld [tilespmem:s23+$0x0]  }
0x79: {  	v34 =	vld [tilespmem:s31+$0x10]  }
0x7a: {  	v35 =	vld [tilespmem:s23+$0x10]  }
0x7b: {  	v36 =	vld [tilespmem:s31+$0x80]  }
0x7c: {  	v37 =	vld [tilespmem:s23+$0x80]  }
0x7d: {  	v38 =	vld [tilespmem:s31+$0x90]  }
0x7e: {  	v39 =	vld [tilespmem:s23+$0x90]  }
0x7f: {  	v40 =	vld [tilespmem:s31+$0x100]  }
0x80: {  	v41 =	vld [tilespmem:s23+$0x100]  }
0x81: {  	v42 =	vld [tilespmem:s31+$0x110]  }
0x82: {  	v43 =	vld [tilespmem:s23+$0x110]  }
0x83: {  	v44 =	vld [tilespmem:s31+$0xFFFFFE00]  }
0x84: {  	v45 =	vld [tilespmem:s31+$0xFFFFFE20]  }
0x85: {  	v46 =	vld [tilespmem:s23+$0xFFFFFE20]  }
0x86: {  	v47 =	vld [tilespmem:s31+$0xFFFFFEA0]  }
0x87: {  	v48 =	vld [tilespmem:s23+$0xFFFFFEA0]  }
0x88: {  	v49 =	vld [tilespmem:s31+$0xFFFFFF20]  }
0x89: {  	v50 =	vld [tilespmem:s23+$0xFFFFFF20]  }
0x8a: {  	v51 =	vld [tilespmem:s31+$0xFFFFFFA0]  }
0x8b: {  	v52 =	vld [tilespmem:s23+$0xFFFFFFA0]  }
0x8c: {  	v53 =	vld [tilespmem:s31+$0x20]  }
0x8d: {  	v54 =	vld [tilespmem:s23+$0x20]  }
0x8e: {  	v55 =	vld [tilespmem:s31+$0xA0]  }
0x8f: {  	v56 =	vld [tilespmem:s23+$0xA0]  }
0x90: {  	v57 =	vld [tilespmem:s31+$0x120]  }
0x91: {  	v17 =	vld [tilespmem:s31+$0xFFFFFF30]  }
0x92: {  	v58 =	vld [tilespmem:s23+$0x120]  }
0x93: {  	v59 =	vld [tilespmem:s31+$0xFFFFFE30]  }
0x94: {  	v60 =	vld [tilespmem:s23+$0xFFFFFE30]  }
0x95: {  	v61 =	vld [tilespmem:s31+$0xFFFFFEB0]  }
0x96: {  	v62 =	vld [tilespmem:s23+$0xFFFFFEB0];
	[tilespmem:$0x1FAE0] =	vst v17  }
0x97: {  	v17 =	vld [tilespmem:s23+$0xFFFFFF30];
	_ =	sdelay $0x4  }
0x98: {  	[tilespmem:$0x1FAF0] =	vst v17  }
0x99: {  	v17 =	vld [tilespmem:s31+$0xFFFFFFB0];
	_ =	sdelay $0x4  }
0x9a: {  	[tilespmem:$0x1FB00] =	vst v17  }
0x9b: {  	v17 =	vld [tilespmem:s23+$0xFFFFFFB0];
	_ =	sdelay $0x4  }
0x9c: {  	[tilespmem:$0x1FB10] =	vst v17  }
0x9d: {  	v17 =	vld [tilespmem:s31+$0x30];
	_ =	sdelay $0x4  }
0x9e: {  	[tilespmem:$0x1FB20] =	vst v17  }
0x9f: {  	v17 =	vld [tilespmem:s31+$0xB0];
	_ =	sdelay $0x4  }
0xa0: {  	v63 =	vld [tilespmem:s23+$0x30];
	[tilespmem:$0x1FB30] =	vst v17  }
0xa1: {  	v17 =	vld [tilespmem:s23+$0xB0];
	_ =	sdelay $0x4  }
0xa2: {  	[tilespmem:$0x1FB40] =	vst v17  }
0xa3: {  	v17 =	vld [tilespmem:s31+$0x130];
	_ =	sdelay $0x4  }
0xa4: {  	[tilespmem:$0x1FB50] =	vst v17  }
0xa5: {  	v17 =	vld [tilespmem:s23+$0x130];
	_ =	sdelay $0x4  }
0xa6: {  	[tilespmem:$0x1FB60] =	vst v17  }
0xa7: {  	v17 =	vld [tilespmem:s31+$0xFFFFFE40];
	_ =	sdelay $0x4  }
0xa8: {  	[tilespmem:$0x1FB70] =	vst v17  }
0xa9: {  	v17 =	vld [tilespmem:s23+$0xFFFFFE40];
	_ =	sdelay $0x4  }
0xaa: {  	[tilespmem:$0x1FB80] =	vst v17  }
0xab: {  	v17 =	vld [tilespmem:s31+$0xFFFFFEC0];
	_ =	sdelay $0x4  }
0xac: {  	[tilespmem:$0x1FB90] =	vst v17  }
0xad: {  	v17 =	vld [tilespmem:s23+$0xFFFFFEC0];
	_ =	sdelay $0x4  }
0xae: {  	[tilespmem:$0x1FBA0] =	vst v17  }
0xaf: {  	v17 =	vld [tilespmem:s31+$0xFFFFFF40];
	_ =	sdelay $0x1  }
0xb0: {  	v1 =	vmul.f32 v2, v1;
	v2 =	vmul.f32 v4, v3;
	_ =	sdelay $0x1  }
0xb1: {  	v1 =	vadd.f32 v2, v1;
	v2 =	vmul.f32 v6, v5  }
0xb2: {  	[tilespmem:$0x1FBB0] =	vst v17  }
0xb3: {  	v1 =	vadd.f32 v2, v1;
	v2 =	vmul.f32 v8, v7;
	v17 =	vld [tilespmem:s23+$0xFFFFFF40];
	_ =	sdelay $0x1  }
0xb4: {  	v1 =	vadd.f32 v2, v1;
	v2 =	vmul.f32 v10, v9;
	_ =	sdelay $0x1  }
0xb5: {  	v38 =	vmul.f32 v39, v38;
	v39 =	vld [tilespmem:$0x1FAD0];
	v1 =	vadd.f32 v2, v1;
	v2 =	vmul.f32 v12, v11  }
0xb6: {  	[tilespmem:$0x1FBC0] =	vst v17  }
0xb7: {  	v42 =	vmul.f32 v43, v42;
	v1 =	vadd.f32 v2, v1;
	v2 =	vmul.f32 v14, v13;
	v17 =	vld [tilespmem:s31+$0xFFFFFFC0]  }
0xb8: {  	v43 =	vmul.f32 v46, v45;
	v46 =	vmul.f32 v52, v51  }
0xb9: {  	v1 =	vadd.f32 v2, v1;
	v2 =	vmul.f32 v19, v18;
	v19 =	vmul.f32 v23, v22  }
0xba: {  	v52 =	vld [tilespmem:$0x1FAE0];
	v22 =	vmul.f32 v29, v28;
	v28 =	vmul.f32 v39, v44  }
0xbb: {  	v44 =	vmul.f32 v48, v47;
	v47 =	vmul.f32 v54, v53;
	v53 =	vld [tilespmem:$0x1FAF0]  }
0xbc: {  	v54 =	vld [tilespmem:$0x1FB00];
	[tilespmem:$0x1FBD0] =	vst v17  }
0xbd: {  	v17 =	vld [tilespmem:s23+$0xFFFFFFC0]  }
0xbe: {  	v48 =	vmul.f32 v56, v55;
	v55 =	vld [tilespmem:$0x1FB10]  }
0xbf: {  	v56 =	vld [tilespmem:$0x1FB20]  }
0xc0: {  	v45 =	vmul.f32 v50, v49;
	v49 =	vmul.f32 v58, v57;
	v57 =	vld [tilespmem:$0x1FB30]  }
0xc1: {  	v31 =	vmul.f32 v31, v30;
	v33 =	vmul.f32 v33, v32;
	v58 =	vld [tilespmem:$0x1FB40]  }
0xc2: {  	v50 =	vmul.f32 v60, v59;
	v14 =	vmul.f32 v16, v15;
	v59 =	vld [tilespmem:$0x1FB50];
	[tilespmem:$0x1FBE0] =	vst v17  }
0xc3: {  	v35 =	vmul.f32 v35, v34;
	v16 =	vmul.f32 v21, v20;
	v17 =	vld [tilespmem:s31+$0x40]  }
0xc4: {  	v20 =	vmul.f32 v25, v24;
	v14 =	vadd.f32 v14, v1;
	v1 =	vmul.f32 v27, v26;
	v60 =	vld [tilespmem:$0x1FB60]  }
0xc5: {  	v51 =	vmul.f32 v62, v61;
	v16 =	vadd.f32 v19, v16;
	v19 =	vadd.f32 v31, v22;
	v61 =	vld [tilespmem:$0x1FB70]  }
0xc6: {  	v41 =	vmul.f32 v41, v40;
	v1 =	vadd.f32 v1, v20;
	v20 =	vadd.f32 v35, v33;
	v62 =	vld [tilespmem:$0x1FB80]  }
0xc7: {  	v2 =	vadd.f32 v2, v28;
	v19 =	vadd.f32 v46, v19;
	v46 =	vld [tilespmem:$0x1FB90]  }
0xc8: {  	v24 =	vadd.f32 v42, v41;
	v20 =	vadd.f32 v47, v20;
	v47 =	vld [tilespmem:$0x1FBA0];
	[tilespmem:$0x1FBF0] =	vst v17  }
0xc9: {  	v2 =	vadd.f32 v43, v2;
	v17 =	vld [tilespmem:s23+$0x40]  }
0xca: {  	v24 =	vadd.f32 v49, v24;
	v16 =	vadd.f32 v44, v16;
	v49 =	vld [tilespmem:$0x1FBB0]  }
0xcb: {  	v2 =	vadd.f32 v50, v2;
	v50 =	vld [tilespmem:$0x1FBC0]  }
0xcc: {  	v16 =	vadd.f32 v51, v16;
	v51 =	vld [tilespmem:$0x1FBD0]  }
0xcd: {  	v26 =	vmul.f32 v55, v54;
	v54 =	vld [tilespmem:$0x1FBF0]  }
0xce: {  	[tilespmem:$0x1FC00] =	vst v17;
	v17 =	vmul.f32 v53, v52;
	v52 =	vld [tilespmem:$0x1FBE0]  }
0xcf: {  	v3 =	vld [tilespmem:s31+$0xC0]  }
0xd0: {  	v4 =	vld [tilespmem:s23+$0xC0]  }
0xd1: {  	v5 =	vld [tilespmem:s31+$0x140]  }
0xd2: {  	v6 =	vld [tilespmem:s23+$0x140]  }
0xd3: {  	v7 =	vld [tilespmem:s31+$0xFFFFFE50]  }
0xd4: {  	v8 =	vld [tilespmem:s23+$0xFFFFFE50]  }
0xd5: {  	v9 =	vld [tilespmem:s31+$0xFFFFFED0]  }
0xd6: {  	v10 =	vld [tilespmem:s23+$0xFFFFFED0]  }
0xd7: {  	v11 =	vld [tilespmem:s31+$0xFFFFFF50]  }
0xd8: {  	v12 =	vld [tilespmem:s23+$0xFFFFFF50]  }
0xd9: {  	v13 =	vld [tilespmem:s31+$0xFFFFFFD0]  }
0xda: {  	v15 =	vld [tilespmem:s23+$0xFFFFFFD0]  }
0xdb: {  	v18 =	vld [tilespmem:s31+$0x50]  }
0xdc: {  	v21 =	vld [tilespmem:s23+$0x50]  }
0xdd: {  	v23 =	vld [tilespmem:s31+$0xD0]  }
0xde: {  	v25 =	vld [tilespmem:s23+$0xD0]  }
0xdf: {  	v27 =	vld [tilespmem:s31+$0x150]  }
0xe0: {  	v29 =	vld [tilespmem:s23+$0x150]  }
0xe1: {  	v31 =	vld [tilespmem:s31+$0xFFFFFE60]  }
0xe2: {  	v33 =	vld [tilespmem:s23+$0xFFFFFE60]  }
0xe3: {  	v30 =	vld [tilespmem:s31+$0xFFFFFEE0]  }
0xe4: {  	v37 =	vmul.f32 v37, v36;
	v32 =	vld [tilespmem:s23+$0xFFFFFEE0]  }
0xe5: {  	v35 =	vld [tilespmem:s31+$0xFFFFFF60]  }
0xe6: {  	v22 =	vadd.f32 v38, v37;
	v37 =	vld [tilespmem:s23+$0xFFFFFF60]  }
0xe7: {  	v34 =	vld [tilespmem:s31+$0xFFFFFFE0]  }
0xe8: {  	v28 =	vld [tilespmem:s23+$0xFFFFFFE0]  }
0xe9: {  	v22 =	vadd.f32 v48, v22;
	v36 =	vmul.f32 v63, v56;
	v39 =	vmul.f32 v60, v59;
	v55 =	vld [tilespmem:$0x1FC00]  }
0xea: {  	v1 =	vadd.f32 v45, v1;
	v19 =	vadd.f32 v26, v19;
	v26 =	vmul.f32 v62, v61;
	v38 =	vld [tilespmem:s31+$0x60]  }
0xeb: {  	v20 =	vadd.f32 v36, v20;
	v45 =	vadd.f32 v39, v24;
	v40 =	vld [tilespmem:s23+$0x60]  }
0xec: {  	v2 =	vadd.f32 v26, v2;
	v24 =	vmul.f32 v47, v46;
	v26 =	vmul.f32 v50, v49;
	v63 =	vld [tilespmem:s31+$0xE0]  }
0xed: {  	v48 =	vld [tilespmem:s23+$0xE0];
	v1 =	vadd.f32 v17, v1;
	v17 =	vmul.f32 v58, v57;
	v41 =	vmul.f32 v52, v51  }
0xee: {  	v16 =	vadd.f32 v24, v16;
	v53 =	vld [tilespmem:s31+$0x160];
	v24 =	vmul.f32 v55, v54;
	v3 =	vmul.f32 v4, v3  }
0xef: {  	v59 =	vld [tilespmem:s31+$0xFFFFFFF0];
	v17 =	vadd.f32 v17, v22;
	v5 =	vmul.f32 v6, v5;
	v7 =	vmul.f32 v8, v7  }
0xf0: {  	v1 =	vadd.f32 v26, v1;
	v6 =	vld [tilespmem:s31+$0xFFFFFE70];
	v9 =	vmul.f32 v10, v9;
	v10 =	vmul.f32 v12, v11  }
0xf1: {  	v8 =	vld [tilespmem:s23+$0xFFFFFE70];
	v12 =	vmul.f32 v21, v18;
	v56 =	vmul.f32 v29, v27;
	v19 =	vadd.f32 v41, v19  }
0xf2: {  	v11 =	vld [tilespmem:s31+$0xFFFFFEF0];
	v58 =	vmul.f32 v32, v30;
	v3 =	vadd.f32 v3, v17;
	v2 =	vadd.f32 v7, v2  }
0xf3: {  	v7 =	vmul.f32 v15, v13;
	v13 =	vld [tilespmem:s23+$0xFFFFFEF0];
	v1 =	vadd.f32 v10, v1;
	v10 =	vmul.f32 v25, v23  }
0xf4: {  	v57 =	vld [tilespmem:s23+$0xFFFFFF70];
	v60 =	vmul.f32 v37, v35;
	v20 =	vadd.f32 v24, v20;
	v5 =	vadd.f32 v5, v45  }
0xf5: {  	v9 =	vadd.f32 v9, v16;
	v15 =	vld [tilespmem:s31+$0xFFFFFF70];
	v3 =	vadd.f32 v10, v3;
	v10 =	vmul.f32 v33, v31  }
0xf6: {  	v4 =	vld [tilespmem:s23+$0x160];
	v61 =	vmul.f32 v28, v34;
	v7 =	vadd.f32 v7, v19;
	v12 =	vadd.f32 v12, v20  }
0xf7: {  	v62 =	vld [tilespmem:s23+$0xFFFFFFF0];
	v16 =	vadd.f32 v56, v5;
	v8 =	vmul.f32 v8, v6;
	v2 =	vadd.f32 v10, v2  }
0xf8: {  	v9 =	vadd.f32 v58, v9;
	v5 =	vld [tilespmem:s31+$0x70];
	v10 =	vadd.f32 v60, v1;
	v11 =	vmul.f32 v13, v11  }
0xf9: {  	s24 =	simm.s32 $0x1E040;
	v6 =	vld [tilespmem:s23+$0x70];
	v1 =	vadd.f32 v61, v7;
	v8 =	vadd.f32 v8, v2  }
0xfa: {  	[tilespmem:s24+$0x30] =	vst v14;
	v7 =	vld [tilespmem:s31+$0xF0];
	v13 =	vmul.f32 v40, v38;
	v15 =	vmul.f32 v57, v15;
	v11 =	vadd.f32 v11, v9  }
0xfb: {  	v63 =	vmul.f32 v48, v63;
	v14 =	vmul.f32 v4, v53;
	v9 =	vld [tilespmem:s23+$0xF0];
	[tilespmem:s24+$0xFFFFFFC0] =	vst v8  }
0xfc: {  	v4 =	vadd.f32 v13, v12;
	v12 =	vmul.f32 v62, v59;
	v8 =	vld [tilespmem:s31+$0x170];
	[tilespmem:s24+$0xFFFFFFD0] =	vst v11;
	v11 =	vadd.f32 v15, v10  }
0xfd: {  	s25 =	simm.s32 $0x0;
	s26 =	sadd.s32 $0x400, s31;
	v2 =	vadd.f32 v63, v3;
	v3 =	vadd.f32 v14, v16;
	v10 =	vld [tilespmem:s23+$0x170]  }
.LBB2_3:
0xfe: {  	v13 =	vld [tilespmem:s26+$0x180];
	[tilespmem:s24+$0xFFFFFFE0] =	vst v11;
	v1 =	vadd.f32 v12, v1;
	v5 =	vmul.f32 v6, v5;
	s23 =	sadd.s32 $0x400, s23  }
0xff: {  	v6 =	vld [tilespmem:s23+$0x180]  }
0x100: {  	v11 =	vld [tilespmem:s26+$0x190];
	[tilespmem:s24+$0xFFFFFFF0] =	vst v1;
	v1 =	vadd.f32 v5, v4;
	v4 =	vmul.f32 v9, v7  }
0x101: {  	s25 =	sadd.s32 $0x8, s25;
	v5 =	vld [tilespmem:s23+$0x190]  }
0x102: {  	p0 =	slt.u32 s25, $0xC0;
	v7 =	vld [tilespmem:s26+$0x1A0];
	[tilespmem:s24+$0x0] =	vst v1;
	v1 =	vadd.f32 v4, v2;
	v2 =	vmul.f32 v10, v8  }
0x103: {  	v4 =	vld [tilespmem:s23+$0x1A0]  }
0x104: {  	v8 =	vld [tilespmem:s26+$0x1B0];
	[tilespmem:s24+$0x10] =	vst v1;
	v1 =	vadd.f32 v2, v3  }
0x105: {  	v2 =	vld [tilespmem:s23+$0x1B0]  }
0x106: {  	v3 =	vmul.f32 v6, v13;
	v5 =	vmul.f32 v5, v11;
	v6 =	vld [tilespmem:s26+$0x1C0];
	[tilespmem:s24+$0x20] =	vst v1  }
0x107: {  	v1 =	vld [tilespmem:s23+$0x1C0]  }
0x108: {  	v3 =	vadd.f32 v5, v3;
	v4 =	vmul.f32 v4, v7;
	v5 =	vld [tilespmem:s26+$0x1D0]  }
0x109: {  	v7 =	vld [tilespmem:s23+$0x1D0]  }
0x10a: {  	v3 =	vadd.f32 v4, v3;
	v2 =	vmul.f32 v2, v8;
	v4 =	vld [tilespmem:s26+$0x1E0]  }
0x10b: {  	v8 =	vld [tilespmem:s23+$0x1E0]  }
0x10c: {  	v2 =	vadd.f32 v2, v3;
	v1 =	vmul.f32 v1, v6;
	v3 =	vld [tilespmem:s26+$0x1F0]  }
0x10d: {  	v6 =	vld [tilespmem:s23+$0x1F0]  }
0x10e: {  	v9 =	vld [tilespmem:s23+$0xFFFFFE00];
	v1 =	vadd.f32 v1, v2;
	v2 =	vmul.f32 v7, v5  }
0x10f: {  	v5 =	vld [tilespmem:s26+$0xFFFFFE10]  }
0x110: {  	v7 =	vld [tilespmem:s23+$0xFFFFFE10];
	v1 =	vadd.f32 v2, v1;
	v2 =	vmul.f32 v8, v4  }
0x111: {  	v4 =	vld [tilespmem:s26+$0xFFFFFE80]  }
0x112: {  	v8 =	vld [tilespmem:s23+$0xFFFFFE80];
	v1 =	vadd.f32 v2, v1;
	v2 =	vmul.f32 v6, v3  }
0x113: {  	v3 =	vld [tilespmem:s26+$0xFFFFFE90]  }
0x114: {  	v6 =	vld [tilespmem:s23+$0xFFFFFE90];
	v1 =	vadd.f32 v2, v1  }
0x115: {  	s24 =	sadd.s32 $0x80, s24;
	v2 =	vmul.f32 v7, v5;
	v5 =	vld [tilespmem:s26+$0xFFFFFF00]  }
0x116: {  	v7 =	vld [tilespmem:s23+$0xFFFFFF00];
	[tilespmem:s24+$0x30] =	vst v1  }
0x117: {  	v1 =	vmul.f32 v8, v4;
	v4 =	vld [tilespmem:s26+$0xFFFFFF10]  }
0x118: {  	v8 =	vld [tilespmem:s23+$0xFFFFFF10]  }
0x119: {  	v3 =	vmul.f32 v6, v3;
	v6 =	vld [tilespmem:s26+$0xFFFFFF80]  }
0x11a: {  	v10 =	vld [tilespmem:s23+$0xFFFFFF80]  }
0x11b: {  	v1 =	vadd.f32 v3, v1;
	v3 =	vmul.f32 v7, v5;
	v5 =	vld [tilespmem:s26+$0xFFFFFF90]  }
0x11c: {  	v7 =	vld [tilespmem:s23+$0xFFFFFF90]  }
0x11d: {  	v4 =	vmul.f32 v8, v4;
	v8 =	vld [tilespmem:s26+$0x0]  }
0x11e: {  	v11 =	vld [tilespmem:s23+$0x0]  }
0x11f: {  	v3 =	vadd.f32 v4, v3;
	v4 =	vmul.f32 v10, v6;
	v6 =	vld [tilespmem:s26+$0x10]  }
0x120: {  	v10 =	vld [tilespmem:s23+$0x10]  }
0x121: {  	v5 =	vmul.f32 v7, v5;
	v7 =	vld [tilespmem:s26+$0x80]  }
0x122: {  	v12 =	vld [tilespmem:s23+$0x80]  }
0x123: {  	v4 =	vadd.f32 v5, v4;
	v5 =	vmul.f32 v11, v8;
	v8 =	vld [tilespmem:s26+$0x90]  }
0x124: {  	v11 =	vld [tilespmem:s23+$0x90]  }
0x125: {  	v6 =	vmul.f32 v10, v6;
	v10 =	vld [tilespmem:s26+$0x100]  }
0x126: {  	v13 =	vld [tilespmem:s23+$0x100]  }
0x127: {  	v5 =	vadd.f32 v6, v5;
	v6 =	vmul.f32 v12, v7;
	v7 =	vld [tilespmem:s26+$0x110]  }
0x128: {  	v12 =	vld [tilespmem:s23+$0x110]  }
0x129: {  	v14 =	vld [tilespmem:s26+$0xFFFFFE00];
	v8 =	vmul.f32 v11, v8  }
0x12a: {  	v11 =	vld [tilespmem:s26+$0xFFFFFE20]  }
0x12b: {  	v15 =	vld [tilespmem:s23+$0xFFFFFE20];
	v6 =	vadd.f32 v8, v6;
	v8 =	vmul.f32 v13, v10  }
0x12c: {  	v10 =	vld [tilespmem:s26+$0xFFFFFEA0]  }
0x12d: {  	v13 =	vld [tilespmem:s23+$0xFFFFFEA0];
	v7 =	vmul.f32 v12, v7  }
0x12e: {  	v9 =	vmul.f32 v9, v14;
	v12 =	vld [tilespmem:s26+$0xFFFFFF20]  }
0x12f: {  	v14 =	vld [tilespmem:s23+$0xFFFFFF20];
	v7 =	vadd.f32 v7, v8  }
0x130: {  	v2 =	vadd.f32 v2, v9;
	v8 =	vmul.f32 v15, v11;
	v9 =	vld [tilespmem:s26+$0xFFFFFFA0]  }
0x131: {  	v11 =	vld [tilespmem:s23+$0xFFFFFFA0]  }
0x132: {  	v2 =	vadd.f32 v8, v2;
	v8 =	vmul.f32 v13, v10;
	v10 =	vld [tilespmem:s26+$0x20]  }
0x133: {  	v13 =	vld [tilespmem:s23+$0x20]  }
0x134: {  	v1 =	vadd.f32 v8, v1;
	v8 =	vmul.f32 v14, v12;
	v12 =	vld [tilespmem:s26+$0xA0]  }
0x135: {  	v14 =	vld [tilespmem:s23+$0xA0]  }
0x136: {  	v3 =	vadd.f32 v8, v3;
	v8 =	vmul.f32 v11, v9;
	v9 =	vld [tilespmem:s26+$0x120]  }
0x137: {  	v11 =	vld [tilespmem:s23+$0x120]  }
0x138: {  	v15 =	vld [tilespmem:s26+$0xFFFFFE30];
	v4 =	vadd.f32 v8, v4;
	v8 =	vmul.f32 v13, v10  }
0x139: {  	v10 =	vld [tilespmem:s23+$0xFFFFFE30]  }
0x13a: {  	v13 =	vld [tilespmem:s26+$0xFFFFFEB0];
	v5 =	vadd.f32 v8, v5;
	v8 =	vmul.f32 v14, v12  }
0x13b: {  	v12 =	vld [tilespmem:s23+$0xFFFFFEB0]  }
0x13c: {  	v14 =	vld [tilespmem:s26+$0xFFFFFF30];
	v6 =	vadd.f32 v8, v6;
	v8 =	vmul.f32 v11, v9  }
0x13d: {  	v9 =	vld [tilespmem:s23+$0xFFFFFF30]  }
0x13e: {  	v10 =	vmul.f32 v10, v15;
	v11 =	vld [tilespmem:s26+$0xFFFFFFB0];
	v7 =	vadd.f32 v8, v7  }
0x13f: {  	v8 =	vld [tilespmem:s23+$0xFFFFFFB0]  }
0x140: {  	v2 =	vadd.f32 v10, v2;
	v10 =	vmul.f32 v12, v13;
	v12 =	vld [tilespmem:s26+$0x30]  }
0x141: {  	v13 =	vld [tilespmem:s23+$0x30]  }
0x142: {  	v1 =	vadd.f32 v10, v1;
	v9 =	vmul.f32 v9, v14;
	v10 =	vld [tilespmem:s26+$0xB0]  }
0x143: {  	v14 =	vld [tilespmem:s23+$0xB0]  }
0x144: {  	v3 =	vadd.f32 v9, v3;
	v8 =	vmul.f32 v8, v11;
	v9 =	vld [tilespmem:s26+$0x130]  }
0x145: {  	v11 =	vld [tilespmem:s23+$0x130]  }
0x146: {  	v15 =	vld [tilespmem:s26+$0xFFFFFE40];
	v4 =	vadd.f32 v8, v4;
	v8 =	vmul.f32 v13, v12  }
0x147: {  	v12 =	vld [tilespmem:s23+$0xFFFFFE40]  }
0x148: {  	v13 =	vld [tilespmem:s26+$0xFFFFFEC0];
	v5 =	vadd.f32 v8, v5;
	v8 =	vmul.f32 v14, v10  }
0x149: {  	v10 =	vld [tilespmem:s23+$0xFFFFFEC0]  }
0x14a: {  	v14 =	vld [tilespmem:s26+$0xFFFFFF40];
	v6 =	vadd.f32 v8, v6;
	v8 =	vmul.f32 v11, v9  }
0x14b: {  	v9 =	vld [tilespmem:s23+$0xFFFFFF40]  }
0x14c: {  	v11 =	vmul.f32 v12, v15;
	v12 =	vld [tilespmem:s26+$0xFFFFFFC0];
	v7 =	vadd.f32 v8, v7  }
0x14d: {  	v8 =	vld [tilespmem:s23+$0xFFFFFFC0]  }
0x14e: {  	v2 =	vadd.f32 v11, v2;
	v10 =	vmul.f32 v10, v13;
	v11 =	vld [tilespmem:s26+$0x40]  }
0x14f: {  	v13 =	vld [tilespmem:s23+$0x40]  }
0x150: {  	v1 =	vadd.f32 v10, v1;
	v9 =	vmul.f32 v9, v14;
	v10 =	vld [tilespmem:s26+$0xC0]  }
0x151: {  	v14 =	vld [tilespmem:s23+$0xC0]  }
0x152: {  	v3 =	vadd.f32 v9, v3;
	v8 =	vmul.f32 v8, v12;
	v9 =	vld [tilespmem:s26+$0x140]  }
0x153: {  	v12 =	vld [tilespmem:s23+$0x140]  }
0x154: {  	v15 =	vld [tilespmem:s26+$0xFFFFFE50];
	v4 =	vadd.f32 v8, v4;
	v8 =	vmul.f32 v13, v11  }
0x155: {  	v11 =	vld [tilespmem:s23+$0xFFFFFE50]  }
0x156: {  	v13 =	vld [tilespmem:s26+$0xFFFFFED0];
	v5 =	vadd.f32 v8, v5;
	v8 =	vmul.f32 v14, v10  }
0x157: {  	v10 =	vld [tilespmem:s23+$0xFFFFFED0]  }
0x158: {  	v14 =	vld [tilespmem:s26+$0xFFFFFF50];
	v6 =	vadd.f32 v8, v6;
	v8 =	vmul.f32 v12, v9  }
0x159: {  	v9 =	vld [tilespmem:s23+$0xFFFFFF50]  }
0x15a: {  	v11 =	vmul.f32 v11, v15;
	v12 =	vld [tilespmem:s26+$0xFFFFFFD0];
	v7 =	vadd.f32 v8, v7  }
0x15b: {  	v8 =	vld [tilespmem:s23+$0xFFFFFFD0]  }
0x15c: {  	v2 =	vadd.f32 v11, v2;
	v10 =	vmul.f32 v10, v13;
	v11 =	vld [tilespmem:s26+$0x50]  }
0x15d: {  	v13 =	vld [tilespmem:s23+$0x50]  }
0x15e: {  	v1 =	vadd.f32 v10, v1;
	v9 =	vmul.f32 v9, v14;
	v10 =	vld [tilespmem:s26+$0xD0]  }
0x15f: {  	v14 =	vld [tilespmem:s23+$0xD0]  }
0x160: {  	v3 =	vadd.f32 v9, v3;
	v8 =	vmul.f32 v8, v12;
	v9 =	vld [tilespmem:s26+$0x150]  }
0x161: {  	v12 =	vld [tilespmem:s23+$0x150]  }
0x162: {  	v15 =	vld [tilespmem:s26+$0xFFFFFE60];
	v4 =	vadd.f32 v8, v4;
	v8 =	vmul.f32 v13, v11  }
0x163: {  	v11 =	vld [tilespmem:s23+$0xFFFFFE60]  }
0x164: {  	v13 =	vld [tilespmem:s26+$0xFFFFFEE0];
	v5 =	vadd.f32 v8, v5;
	v8 =	vmul.f32 v14, v10  }
0x165: {  	v10 =	vld [tilespmem:s23+$0xFFFFFEE0]  }
0x166: {  	v14 =	vld [tilespmem:s26+$0xFFFFFF60];
	v6 =	vadd.f32 v8, v6;
	v8 =	vmul.f32 v12, v9  }
0x167: {  	v9 =	vld [tilespmem:s23+$0xFFFFFF60]  }
0x168: {  	v11 =	vmul.f32 v11, v15;
	v12 =	vld [tilespmem:s26+$0xFFFFFFE0];
	v7 =	vadd.f32 v8, v7  }
0x169: {  	v8 =	vld [tilespmem:s23+$0xFFFFFFE0]  }
0x16a: {  	v11 =	vadd.f32 v11, v2;
	v2 =	vmul.f32 v10, v13;
	v10 =	vld [tilespmem:s26+$0x60]  }
0x16b: {  	v13 =	vld [tilespmem:s23+$0x60]  }
0x16c: {  	v15 =	vadd.f32 v2, v1;
	v1 =	vmul.f32 v9, v14;
	v2 =	vld [tilespmem:s26+$0xE0]  }
0x16d: {  	v9 =	vld [tilespmem:s23+$0xE0]  }
0x16e: {  	v14 =	vadd.f32 v1, v3;
	v1 =	vmul.f32 v8, v12;
	v3 =	vld [tilespmem:s26+$0x160]  }
0x16f: {  	v8 =	vld [tilespmem:s23+$0x160]  }
0x170: {  	v12 =	vld [tilespmem:s26+$0xFFFFFE70];
	v1 =	vadd.f32 v1, v4;
	v4 =	vmul.f32 v13, v10  }
0x171: {  	v10 =	vld [tilespmem:s23+$0xFFFFFE70]  }
0x172: {  	v13 =	vld [tilespmem:s26+$0xFFFFFEF0];
	v4 =	vadd.f32 v4, v5;
	v2 =	vmul.f32 v9, v2  }
0x173: {  	v5 =	vld [tilespmem:s23+$0xFFFFFEF0]  }
0x174: {  	v9 =	vld [tilespmem:s26+$0xFFFFFF70];
	v2 =	vadd.f32 v2, v6;
	v3 =	vmul.f32 v8, v3  }
0x175: {  	v8 =	vld [tilespmem:s23+$0xFFFFFF70]  }
0x176: {  	v6 =	vmul.f32 v10, v12;
	v10 =	vld [tilespmem:s26+$0xFFFFFFF0];
	v3 =	vadd.f32 v3, v7  }
0x177: {  	v12 =	vld [tilespmem:s23+$0xFFFFFFF0]  }
0x178: {  	v7 =	vadd.f32 v6, v11;
	v11 =	vmul.f32 v5, v13;
	v5 =	vld [tilespmem:s26+$0x70]  }
.Ltmp0:
0x179: {  	v6 =	vld [tilespmem:s23+$0x70];
	(pc) =	sbr.rel @p0 .LBB2_3-.Ltmp0, $4  }
0x17a: {  	[tilespmem:s24+$0xFFFFFFC0] =	vst v7;
	v11 =	vadd.f32 v11, v15;
	v8 =	vmul.f32 v8, v9;
	v7 =	vld [tilespmem:s26+$0xF0]  }
0x17b: {  	v9 =	vld [tilespmem:s23+$0xF0]  }
0x17c: {  	[tilespmem:s24+$0xFFFFFFD0] =	vst v11;
	v11 =	vadd.f32 v8, v14;
	v12 =	vmul.f32 v12, v10;
	v8 =	vld [tilespmem:s26+$0x170]  }
0x17d: {  	s26 =	sadd.s32 $0x400, s26;
	v10 =	vld [tilespmem:s23+$0x170]  }
0x17e: {  	_ =	sdelay $0x1  }
0x17f: {  	v5 =	vmul.f32 v6, v5  }
0x180: {  	v1 =	vadd.f32 v12, v1;
	v63 =	vmul.f32 v9, v7  }
0x181: {  	[tilespmem:s24+$0xFFFFFFE0] =	vst v11;
	v4 =	vadd.f32 v5, v4;
	v8 =	vmul.f32 v10, v8  }
0x182: {  	[tilespmem:s24+$0xFFFFFFF0] =	vst v1;
	v1 =	vadd.f32 v63, v2  }
0x183: {  	[tilespmem:s24+$0x0] =	vst v4;
	v2 =	vadd.f32 v8, v3  }
0x184: {  	p0 =	seq.s32 s21, $0x0;
	[tilespmem:s24+$0x10] =	vst v1  }
0x185: {  	s23 =	simm.s32 @!p0 $0x3;
	[tilespmem:s24+$0x20] =	vst v2  }
0x186: {  	_ =	swait.ge @!p0 [sflag:s23], $0xC8  }
0x187: {  	v2 =	vld [tilespmem:$0x1FC10];
	_ =	sdelay $0x1  }
0x188: {  	v3 =	vld [tilespmem:$0x1FC20];
	_ =	sdelay $0x2  }
0x189: {  	[sflag:s23] =	ssyncset.done @!p0 $0x0  }
0x18a: {  	[sflag:s23] =	ssyncadd.s32 @!p0 $0xFFFFFF38  }
0x18b: {  	v1 =	vld.idx.msk [tilespmem:v0+s16+$0x0], $0xffff  }
0x18c: {  	v2 =	vld.idx.msk [tilespmem:v2+s16+$0x0], $0xffff;
	_ =	sdelay $0x1  }
0x18d: {  	v3 =	vld.idx.msk [tilespmem:v3+s16+$0x0], $0xffff  }
0x18e: {  	v9 =	vld [tilespmem:$0x1FC30];
	_ =	sdelay $0x1  }
0x18f: {  	v1 =	vadd.f32 v2, v1;
	v2 =	vld [tilespmem:$0x1FC40];
	_ =	sdelay $0x1  }
0x190: {  	v1 =	vadd.f32 v3, v1;
	v3 =	vld [tilespmem:$0x1FC50];
	_ =	sdelay $0x3  }
0x191: {  	v4 =	vld.idx.msk [tilespmem:v9+s16+$0x0], $0xffff;
	_ =	sdelay $0x1  }
0x192: {  	v2 =	vld.idx.msk [tilespmem:v2+s16+$0x0], $0xffff;
	_ =	sdelay $0x1  }
0x193: {  	v3 =	vld.idx.msk [tilespmem:v3+s16+$0x0], $0xffff  }
0x194: {  	v10 =	vld [tilespmem:$0x1FC60];
	v1 =	vadd.f32 v4, v1;
	_ =	sdelay $0x1  }
0x195: {  	v1 =	vadd.f32 v2, v1;
	v2 =	vld [tilespmem:$0x1FC70];
	_ =	sdelay $0x1  }
0x196: {  	v1 =	vadd.f32 v3, v1;
	v3 =	vld [tilespmem:$0x1FC80];
	_ =	sdelay $0x3  }
0x197: {  	v4 =	vld.idx.msk [tilespmem:v10+s16+$0x0], $0xffff;
	_ =	sdelay $0x1  }
0x198: {  	v2 =	vld.idx.msk [tilespmem:v2+s16+$0x0], $0xffff;
	_ =	sdelay $0x1  }
0x199: {  	v3 =	vld.idx.msk [tilespmem:v3+s16+$0x0], $0xffff  }
0x19a: {  	v11 =	vld [tilespmem:$0x1FC90];
	v1 =	vadd.f32 v4, v1;
	_ =	sdelay $0x1  }
0x19b: {  	v1 =	vadd.f32 v2, v1;
	v2 =	vld [tilespmem:$0x1FCA0];
	_ =	sdelay $0x1  }
0x19c: {  	v1 =	vadd.f32 v3, v1;
	v3 =	vld [tilespmem:$0x1FCB0];
	_ =	sdelay $0x3  }
0x19d: {  	v4 =	vld.idx.msk [tilespmem:v11+s16+$0x0], $0xffff;
	_ =	sdelay $0x1  }
0x19e: {  	v2 =	vld.idx.msk [tilespmem:v2+s16+$0x0], $0xffff;
	_ =	sdelay $0x1  }
0x19f: {  	v3 =	vld.idx.msk [tilespmem:v3+s16+$0x0], $0xffff  }
0x1a0: {  	v12 =	vld [tilespmem:$0x1FCC0];
	v1 =	vadd.f32 v4, v1;
	_ =	sdelay $0x1  }
0x1a1: {  	v1 =	vadd.f32 v2, v1;
	v2 =	vld [tilespmem:$0x1FCD0];
	_ =	sdelay $0x1  }
0x1a2: {  	v1 =	vadd.f32 v3, v1;
	v3 =	vld [tilespmem:$0x1FCE0];
	_ =	sdelay $0x1  }
0x1a3: {  	v13 =	vld [tilespmem:$0x1FCF0];
	_ =	sdelay $0x1  }
0x1a4: {  	v4 =	vld.idx.msk [tilespmem:v12+s16+$0x0], $0xffff;
	_ =	sdelay $0x1  }
0x1a5: {  	v2 =	vld.idx.msk [tilespmem:v2+s16+$0x0], $0xffff;
	_ =	sdelay $0x1  }
0x1a6: {  	v3 =	vld.idx.msk [tilespmem:v3+s16+$0x0], $0xffff  }
0x1a7: {  	v1 =	vadd.f32 v4, v1  }
0x1a8: {  	v4 =	vld.idx.msk [tilespmem:v13+s16+$0x0], $0xffff  }
0x1a9: {  	v1 =	vadd.f32 v2, v1;
	_ =	sdelay $0x1  }
0x1aa: {  	v1 =	vadd.f32 v3, v1;
	_ =	sdelay $0x1  }
0x1ab: {  	v1 =	vadd.f32 v4, v1  }
0x1ac: {  	v2 =	vld [tilespmem:$0x1FD10]  }
0x1ad: {  	[tilespmem:$0x1DF00] =	vst v1;
	v1 =	vld [tilespmem:$0x1FD00];
	_ =	sdelay $0x1  }
0x1ae: {  	v3 =	vld [tilespmem:$0x1FD20];
	_ =	sdelay $0x4  }
0x1af: {  	v2 =	vld.idx.msk [tilespmem:v2+s16+$0x0], $0xffff  }
0x1b0: {  	v1 =	vld.idx.msk [tilespmem:v1+s16+$0x0], $0xffff;
	_ =	sdelay $0x1  }
0x1b1: {  	v3 =	vld.idx.msk [tilespmem:v3+s16+$0x0], $0xffff  }
0x1b2: {  	v14 =	vld [tilespmem:$0x1FD30];
	_ =	sdelay $0x1  }
0x1b3: {  	v1 =	vadd.f32 v2, v1;
	v2 =	vld [tilespmem:$0x1FD40];
	_ =	sdelay $0x1  }
0x1b4: {  	v1 =	vadd.f32 v3, v1;
	v3 =	vld [tilespmem:$0x1FD50];
	_ =	sdelay $0x3  }
0x1b5: {  	v4 =	vld.idx.msk [tilespmem:v14+s16+$0x0], $0xffff;
	_ =	sdelay $0x1  }
0x1b6: {  	v2 =	vld.idx.msk [tilespmem:v2+s16+$0x0], $0xffff;
	_ =	sdelay $0x1  }
0x1b7: {  	v3 =	vld.idx.msk [tilespmem:v3+s16+$0x0], $0xffff  }
0x1b8: {  	v15 =	vld [tilespmem:$0x1FD60];
	v1 =	vadd.f32 v4, v1;
	_ =	sdelay $0x1  }
0x1b9: {  	v1 =	vadd.f32 v2, v1;
	v2 =	vld [tilespmem:$0x1FD70];
	_ =	sdelay $0x1  }
0x1ba: {  	v1 =	vadd.f32 v3, v1;
	v3 =	vld [tilespmem:$0x1FD80];
	_ =	sdelay $0x3  }
0x1bb: {  	v4 =	vld.idx.msk [tilespmem:v15+s16+$0x0], $0xffff;
	_ =	sdelay $0x1  }
0x1bc: {  	v2 =	vld.idx.msk [tilespmem:v2+s16+$0x0], $0xffff;
	_ =	sdelay $0x1  }
0x1bd: {  	v3 =	vld.idx.msk [tilespmem:v3+s16+$0x0], $0xffff  }
0x1be: {  	v16 =	vld [tilespmem:$0x1FD90];
	v1 =	vadd.f32 v4, v1;
	_ =	sdelay $0x1  }
0x1bf: {  	v1 =	vadd.f32 v2, v1;
	v2 =	vld [tilespmem:$0x1FDA0];
	_ =	sdelay $0x1  }
0x1c0: {  	v1 =	vadd.f32 v3, v1;
	v3 =	vld [tilespmem:$0x1FDB0];
	_ =	sdelay $0x3  }
0x1c1: {  	v4 =	vld.idx.msk [tilespmem:v16+s16+$0x0], $0xffff;
	_ =	sdelay $0x1  }
0x1c2: {  	v2 =	vld.idx.msk [tilespmem:v2+s16+$0x0], $0xffff;
	_ =	sdelay $0x1  }
0x1c3: {  	v3 =	vld.idx.msk [tilespmem:v3+s16+$0x0], $0xffff  }
0x1c4: {  	v17 =	vld [tilespmem:$0x1FDC0];
	v1 =	vadd.f32 v4, v1;
	_ =	sdelay $0x1  }
0x1c5: {  	v1 =	vadd.f32 v2, v1;
	v2 =	vld [tilespmem:$0x1FDD0];
	_ =	sdelay $0x1  }
0x1c6: {  	v1 =	vadd.f32 v3, v1;
	v3 =	vld [tilespmem:$0x1FDE0];
	_ =	sdelay $0x1  }
0x1c7: {  	v18 =	vld [tilespmem:$0x1FDF0];
	_ =	sdelay $0x1  }
0x1c8: {  	v4 =	vld.idx.msk [tilespmem:v17+s16+$0x0], $0xffff;
	_ =	sdelay $0x1  }
0x1c9: {  	v2 =	vld.idx.msk [tilespmem:v2+s16+$0x0], $0xffff;
	_ =	sdelay $0x1  }
0x1ca: {  	v3 =	vld.idx.msk [tilespmem:v3+s16+$0x0], $0xffff  }
0x1cb: {  	v1 =	vadd.f32 v4, v1  }
0x1cc: {  	v4 =	vld.idx.msk [tilespmem:v18+s16+$0x0], $0xffff  }
0x1cd: {  	v1 =	vadd.f32 v2, v1;
	_ =	sdelay $0x1  }
0x1ce: {  	v1 =	vadd.f32 v3, v1;
	_ =	sdelay $0x1  }
0x1cf: {  	v1 =	vadd.f32 v4, v1  }
0x1d0: {  	v2 =	vld [tilespmem:$0x1FE10]  }
0x1d1: {  	[tilespmem:$0x1DF10] =	vst v1;
	v1 =	vld [tilespmem:$0x1FE00];
	_ =	sdelay $0x1  }
0x1d2: {  	v3 =	vld [tilespmem:$0x1FE20];
	_ =	sdelay $0x4  }
0x1d3: {  	v2 =	vld.idx.msk [tilespmem:v2+s16+$0x0], $0xffff  }
0x1d4: {  	v1 =	vld.idx.msk [tilespmem:v1+s16+$0x0], $0xffff;
	_ =	sdelay $0x1  }
0x1d5: {  	v3 =	vld.idx.msk [tilespmem:v3+s16+$0x0], $0xffff  }
0x1d6: {  	v19 =	vld [tilespmem:$0x1FE30];
	_ =	sdelay $0x1  }
0x1d7: {  	v1 =	vadd.f32 v2, v1;
	v2 =	vld [tilespmem:$0x1FE40];
	_ =	sdelay $0x1  }
0x1d8: {  	v1 =	vadd.f32 v3, v1;
	v3 =	vld [tilespmem:$0x1FE50];
	_ =	sdelay $0x3  }
0x1d9: {  	v4 =	vld.idx.msk [tilespmem:v19+s16+$0x0], $0xffff;
	_ =	sdelay $0x1  }
0x1da: {  	v2 =	vld.idx.msk [tilespmem:v2+s16+$0x0], $0xffff;
	_ =	sdelay $0x1  }
0x1db: {  	v3 =	vld.idx.msk [tilespmem:v3+s16+$0x0], $0xffff  }
0x1dc: {  	v20 =	vld [tilespmem:$0x1FE60];
	v1 =	vadd.f32 v4, v1;
	_ =	sdelay $0x1  }
0x1dd: {  	v1 =	vadd.f32 v2, v1;
	v2 =	vld [tilespmem:$0x1FE70];
	_ =	sdelay $0x1  }
0x1de: {  	v1 =	vadd.f32 v3, v1;
	v3 =	vld [tilespmem:$0x1FE80];
	_ =	sdelay $0x3  }
0x1df: {  	v4 =	vld.idx.msk [tilespmem:v20+s16+$0x0], $0xffff;
	_ =	sdelay $0x1  }
0x1e0: {  	v2 =	vld.idx.msk [tilespmem:v2+s16+$0x0], $0xffff;
	_ =	sdelay $0x1  }
0x1e1: {  	v3 =	vld.idx.msk [tilespmem:v3+s16+$0x0], $0xffff  }
0x1e2: {  	v21 =	vld [tilespmem:$0x1FE90];
	v1 =	vadd.f32 v4, v1;
	_ =	sdelay $0x1  }
0x1e3: {  	v1 =	vadd.f32 v2, v1;
	v2 =	vld [tilespmem:$0x1FEA0];
	_ =	sdelay $0x1  }
0x1e4: {  	v1 =	vadd.f32 v3, v1;
	v3 =	vld [tilespmem:$0x1FEB0];
	_ =	sdelay $0x3  }
0x1e5: {  	v4 =	vld.idx.msk [tilespmem:v21+s16+$0x0], $0xffff;
	_ =	sdelay $0x1  }
0x1e6: {  	v2 =	vld.idx.msk [tilespmem:v2+s16+$0x0], $0xffff;
	_ =	sdelay $0x1  }
0x1e7: {  	v3 =	vld.idx.msk [tilespmem:v3+s16+$0x0], $0xffff  }
0x1e8: {  	v22 =	vld [tilespmem:$0x1FEC0];
	v1 =	vadd.f32 v4, v1;
	_ =	sdelay $0x1  }
0x1e9: {  	v1 =	vadd.f32 v2, v1;
	v2 =	vld [tilespmem:$0x1FED0];
	_ =	sdelay $0x1  }
0x1ea: {  	v1 =	vadd.f32 v3, v1;
	v3 =	vld [tilespmem:$0x1FEE0];
	_ =	sdelay $0x1  }
0x1eb: {  	v23 =	vld [tilespmem:$0x1FEF0];
	_ =	sdelay $0x1  }
0x1ec: {  	v4 =	vld.idx.msk [tilespmem:v22+s16+$0x0], $0xffff;
	_ =	sdelay $0x1  }
0x1ed: {  	v2 =	vld.idx.msk [tilespmem:v2+s16+$0x0], $0xffff;
	_ =	sdelay $0x1  }
0x1ee: {  	v3 =	vld.idx.msk [tilespmem:v3+s16+$0x0], $0xffff  }
0x1ef: {  	v1 =	vadd.f32 v4, v1  }
0x1f0: {  	v4 =	vld.idx.msk [tilespmem:v23+s16+$0x0], $0xffff  }
0x1f1: {  	v1 =	vadd.f32 v2, v1;
	_ =	sdelay $0x1  }
0x1f2: {  	v1 =	vadd.f32 v3, v1;
	_ =	sdelay $0x1  }
0x1f3: {  	v1 =	vadd.f32 v4, v1  }
0x1f4: {  	v2 =	vld [tilespmem:$0x1FF10]  }
0x1f5: {  	[tilespmem:$0x1DF20] =	vst v1;
	v1 =	vld [tilespmem:$0x1FF00];
	_ =	sdelay $0x1  }
0x1f6: {  	v3 =	vld [tilespmem:$0x1FF20];
	_ =	sdelay $0x4  }
0x1f7: {  	v2 =	vld.idx.msk [tilespmem:v2+s16+$0x0], $0xffff  }
0x1f8: {  	v1 =	vld.idx.msk [tilespmem:v1+s16+$0x0], $0xffff;
	_ =	sdelay $0x1  }
0x1f9: {  	v3 =	vld.idx.msk [tilespmem:v3+s16+$0x0], $0xffff  }
0x1fa: {  	v24 =	vld [tilespmem:$0x1FF30];
	_ =	sdelay $0x1  }
0x1fb: {  	v1 =	vadd.f32 v2, v1;
	v2 =	vld [tilespmem:$0x1FF40];
	_ =	sdelay $0x1  }
0x1fc: {  	v1 =	vadd.f32 v3, v1;
	v3 =	vld [tilespmem:$0x1FF50];
	_ =	sdelay $0x3  }
0x1fd: {  	v4 =	vld.idx.msk [tilespmem:v24+s16+$0x0], $0xffff;
	_ =	sdelay $0x1  }
0x1fe: {  	v2 =	vld.idx.msk [tilespmem:v2+s16+$0x0], $0xffff;
	_ =	sdelay $0x1  }
0x1ff: {  	v3 =	vld.idx.msk [tilespmem:v3+s16+$0x0], $0xffff  }
0x200: {  	v25 =	vld [tilespmem:$0x1FF60];
	v1 =	vadd.f32 v4, v1;
	_ =	sdelay $0x1  }
0x201: {  	v1 =	vadd.f32 v2, v1;
	v2 =	vld [tilespmem:$0x1FF70];
	_ =	sdelay $0x1  }
0x202: {  	v1 =	vadd.f32 v3, v1;
	v3 =	vld [tilespmem:$0x1FF80];
	_ =	sdelay $0x3  }
0x203: {  	v4 =	vld.idx.msk [tilespmem:v25+s16+$0x0], $0xffff;
	_ =	sdelay $0x1  }
0x204: {  	v2 =	vld.idx.msk [tilespmem:v2+s16+$0x0], $0xffff;
	_ =	sdelay $0x1  }
0x205: {  	v3 =	vld.idx.msk [tilespmem:v3+s16+$0x0], $0xffff  }
0x206: {  	v26 =	vld [tilespmem:$0x1FF90];
	v1 =	vadd.f32 v4, v1;
	_ =	sdelay $0x1  }
0x207: {  	v1 =	vadd.f32 v2, v1;
	v2 =	vld [tilespmem:$0x1FFA0];
	_ =	sdelay $0x1  }
0x208: {  	v1 =	vadd.f32 v3, v1;
	v3 =	vld [tilespmem:$0x1FFB0];
	_ =	sdelay $0x3  }
0x209: {  	v4 =	vld.idx.msk [tilespmem:v26+s16+$0x0], $0xffff;
	_ =	sdelay $0x1  }
0x20a: {  	v2 =	vld.idx.msk [tilespmem:v2+s16+$0x0], $0xffff;
	_ =	sdelay $0x1  }
0x20b: {  	v3 =	vld.idx.msk [tilespmem:v3+s16+$0x0], $0xffff  }
0x20c: {  	v27 =	vld [tilespmem:$0x1FFC0];
	v1 =	vadd.f32 v4, v1;
	_ =	sdelay $0x1  }
0x20d: {  	v1 =	vadd.f32 v2, v1;
	v2 =	vld [tilespmem:$0x1FFD0];
	_ =	sdelay $0x1  }
0x20e: {  	v1 =	vadd.f32 v3, v1;
	v3 =	vld [tilespmem:$0x1FFE0];
	_ =	sdelay $0x1  }
0x20f: {  	v28 =	vld [tilespmem:$0x1FFF0];
	_ =	sdelay $0x1  }
0x210: {  	v4 =	vld.idx.msk [tilespmem:v27+s16+$0x0], $0xffff;
	_ =	sdelay $0x1  }
0x211: {  	v2 =	vld.idx.msk [tilespmem:v2+s16+$0x0], $0xffff;
	_ =	sdelay $0x1  }
0x212: {  	v3 =	vld.idx.msk [tilespmem:v3+s16+$0x0], $0xffff  }
0x213: {  	v1 =	vadd.f32 v4, v1  }
0x214: {  	v4 =	vld.idx.msk [tilespmem:v28+s16+$0x0], $0xffff  }
0x215: {  	v1 =	vadd.f32 v2, v1;
	_ =	sdelay $0x1  }
0x216: {  	v2 =	vor.u32 $0x400, v0;
	v1 =	vadd.f32 v3, v1  }
0x217: {  	v3 =	vor.u32 $0x401, v0  }
0x218: {  	v1 =	vadd.f32 v4, v1  }
0x219: {  	v29 =	vor.u32 $0x402, v0  }
0x21a: {  	[tilespmem:$0x1DF30] =	vst v1  }
0x21b: {  	v1 =	vld.idx.msk [tilespmem:v2+s16+$0x0], $0xffff;
	v2 =	vor.u32 $0x403, v0  }
0x21c: {  	v3 =	vld.idx.msk [tilespmem:v3+s16+$0x0], $0xffff  }
0x21d: {  	v30 =	vor.u32 $0x404, v0  }
0x21e: {  	v4 =	vld.idx.msk [tilespmem:v29+s16+$0x0], $0xffff  }
0x21f: {  	v31 =	vor.u32 $0x405, v0  }
0x220: {  	v2 =	vld.idx.msk [tilespmem:v2+s16+$0x0], $0xffff  }
0x221: {  	v1 =	vadd.f32 v3, v1;
	v3 =	vor.u32 $0x406, v0  }
0x222: {  	v5 =	vld.idx.msk [tilespmem:v30+s16+$0x0], $0xffff  }
0x223: {  	v32 =	vor.u32 $0x407, v0;
	v1 =	vadd.f32 v4, v1  }
0x224: {  	v6 =	vld.idx.msk [tilespmem:v31+s16+$0x0], $0xffff  }
0x225: {  	v1 =	vadd.f32 v2, v1;
	v2 =	vor.u32 $0x408, v0  }
0x226: {  	v3 =	vld.idx.msk [tilespmem:v3+s16+$0x0], $0xffff  }
0x227: {  	v33 =	vor.u32 $0x409, v0;
	v1 =	vadd.f32 v5, v1  }
0x228: {  	v4 =	vld.idx.msk [tilespmem:v32+s16+$0x0], $0xffff  }
0x229: {  	v34 =	vor.u32 $0x40A, v0;
	v1 =	vadd.f32 v6, v1  }
0x22a: {  	v2 =	vld.idx.msk [tilespmem:v2+s16+$0x0], $0xffff  }
0x22b: {  	v1 =	vadd.f32 v3, v1;
	v3 =	vor.u32 $0x40B, v0  }
0x22c: {  	v5 =	vld.idx.msk [tilespmem:v33+s16+$0x0], $0xffff  }
0x22d: {  	v35 =	vor.u32 $0x40C, v0;
	v1 =	vadd.f32 v4, v1  }
0x22e: {  	v6 =	vld.idx.msk [tilespmem:v34+s16+$0x0], $0xffff  }
0x22f: {  	v1 =	vadd.f32 v2, v1;
	v2 =	vor.u32 $0x40D, v0  }
0x230: {  	v3 =	vld.idx.msk [tilespmem:v3+s16+$0x0], $0xffff  }
0x231: {  	v36 =	vor.u32 $0x40E, v0;
	v1 =	vadd.f32 v5, v1  }
0x232: {  	v4 =	vld.idx.msk [tilespmem:v35+s16+$0x0], $0xffff  }
0x233: {  	v37 =	vor.u32 $0x40F, v0;
	v1 =	vadd.f32 v6, v1  }
0x234: {  	v2 =	vld.idx.msk [tilespmem:v2+s16+$0x0], $0xffff  }
0x235: {  	v1 =	vadd.f32 v3, v1  }
0x236: {  	v3 =	vld.idx.msk [tilespmem:v36+s16+$0x0], $0xffff  }
0x237: {  	v1 =	vadd.f32 v4, v1  }
0x238: {  	v38 =	vld.idx.msk [tilespmem:v37+s16+$0x0], $0xffff  }
0x239: {  	v1 =	vadd.f32 v2, v1;
	_ =	sdelay $0x1  }
0x23a: {  	v2 =	vor.u32 $0x500, v0;
	v1 =	vadd.f32 v3, v1  }
0x23b: {  	v3 =	vor.u32 $0x501, v0  }
0x23c: {  	v1 =	vadd.f32 v38, v1  }
0x23d: {  	v39 =	vor.u32 $0x502, v0  }
0x23e: {  	[tilespmem:$0x1DF40] =	vst v1  }
0x23f: {  	v1 =	vld.idx.msk [tilespmem:v2+s16+$0x0], $0xffff;
	v2 =	vor.u32 $0x503, v0  }
0x240: {  	v3 =	vld.idx.msk [tilespmem:v3+s16+$0x0], $0xffff  }
0x241: {  	v40 =	vor.u32 $0x504, v0  }
0x242: {  	v4 =	vld.idx.msk [tilespmem:v39+s16+$0x0], $0xffff  }
0x243: {  	v41 =	vor.u32 $0x505, v0  }
0x244: {  	v2 =	vld.idx.msk [tilespmem:v2+s16+$0x0], $0xffff  }
0x245: {  	v1 =	vadd.f32 v3, v1;
	v3 =	vor.u32 $0x506, v0  }
0x246: {  	v5 =	vld.idx.msk [tilespmem:v40+s16+$0x0], $0xffff  }
0x247: {  	v42 =	vor.u32 $0x507, v0;
	v1 =	vadd.f32 v4, v1  }
0x248: {  	v6 =	vld.idx.msk [tilespmem:v41+s16+$0x0], $0xffff  }
0x249: {  	v1 =	vadd.f32 v2, v1;
	v2 =	vor.u32 $0x508, v0  }
0x24a: {  	v3 =	vld.idx.msk [tilespmem:v3+s16+$0x0], $0xffff  }
0x24b: {  	v43 =	vor.u32 $0x509, v0;
	v1 =	vadd.f32 v5, v1  }
0x24c: {  	v4 =	vld.idx.msk [tilespmem:v42+s16+$0x0], $0xffff  }
0x24d: {  	v44 =	vor.u32 $0x50A, v0;
	v1 =	vadd.f32 v6, v1  }
0x24e: {  	v2 =	vld.idx.msk [tilespmem:v2+s16+$0x0], $0xffff  }
0x24f: {  	v1 =	vadd.f32 v3, v1;
	v3 =	vor.u32 $0x50B, v0  }
0x250: {  	v5 =	vld.idx.msk [tilespmem:v43+s16+$0x0], $0xffff  }
0x251: {  	v45 =	vor.u32 $0x50C, v0;
	v1 =	vadd.f32 v4, v1  }
0x252: {  	v6 =	vld.idx.msk [tilespmem:v44+s16+$0x0], $0xffff  }
0x253: {  	v1 =	vadd.f32 v2, v1;
	v2 =	vor.u32 $0x50D, v0  }
0x254: {  	v3 =	vld.idx.msk [tilespmem:v3+s16+$0x0], $0xffff  }
0x255: {  	v46 =	vor.u32 $0x50E, v0;
	v1 =	vadd.f32 v5, v1  }
0x256: {  	v4 =	vld.idx.msk [tilespmem:v45+s16+$0x0], $0xffff  }
0x257: {  	v47 =	vor.u32 $0x50F, v0;
	v1 =	vadd.f32 v6, v1  }
0x258: {  	v2 =	vld.idx.msk [tilespmem:v2+s16+$0x0], $0xffff  }
0x259: {  	v1 =	vadd.f32 v3, v1  }
0x25a: {  	v3 =	vld.idx.msk [tilespmem:v46+s16+$0x0], $0xffff  }
0x25b: {  	v1 =	vadd.f32 v4, v1  }
0x25c: {  	v48 =	vld.idx.msk [tilespmem:v47+s16+$0x0], $0xffff  }
0x25d: {  	v1 =	vadd.f32 v2, v1;
	_ =	sdelay $0x1  }
0x25e: {  	v2 =	vor.u32 $0x600, v0;
	v1 =	vadd.f32 v3, v1  }
0x25f: {  	v3 =	vor.u32 $0x601, v0  }
0x260: {  	v1 =	vadd.f32 v48, v1  }
0x261: {  	v49 =	vor.u32 $0x602, v0  }
0x262: {  	[tilespmem:$0x1DF50] =	vst v1  }
0x263: {  	v1 =	vld.idx.msk [tilespmem:v2+s16+$0x0], $0xffff;
	v2 =	vor.u32 $0x603, v0  }
0x264: {  	v3 =	vld.idx.msk [tilespmem:v3+s16+$0x0], $0xffff  }
0x265: {  	v50 =	vor.u32 $0x604, v0  }
0x266: {  	v4 =	vld.idx.msk [tilespmem:v49+s16+$0x0], $0xffff  }
0x267: {  	v51 =	vor.u32 $0x605, v0  }
0x268: {  	v2 =	vld.idx.msk [tilespmem:v2+s16+$0x0], $0xffff  }
0x269: {  	v1 =	vadd.f32 v3, v1;
	v3 =	vor.u32 $0x606, v0  }
0x26a: {  	v5 =	vld.idx.msk [tilespmem:v50+s16+$0x0], $0xffff  }
0x26b: {  	v52 =	vor.u32 $0x607, v0;
	v1 =	vadd.f32 v4, v1  }
0x26c: {  	v6 =	vld.idx.msk [tilespmem:v51+s16+$0x0], $0xffff  }
0x26d: {  	v1 =	vadd.f32 v2, v1;
	v2 =	vor.u32 $0x608, v0  }
0x26e: {  	v3 =	vld.idx.msk [tilespmem:v3+s16+$0x0], $0xffff  }
0x26f: {  	v53 =	vor.u32 $0x609, v0;
	v1 =	vadd.f32 v5, v1  }
0x270: {  	v4 =	vld.idx.msk [tilespmem:v52+s16+$0x0], $0xffff  }
0x271: {  	v54 =	vor.u32 $0x60A, v0;
	v1 =	vadd.f32 v6, v1  }
0x272: {  	v2 =	vld.idx.msk [tilespmem:v2+s16+$0x0], $0xffff  }
0x273: {  	v1 =	vadd.f32 v3, v1;
	v3 =	vor.u32 $0x60B, v0  }
0x274: {  	v5 =	vld.idx.msk [tilespmem:v53+s16+$0x0], $0xffff  }
0x275: {  	v55 =	vor.u32 $0x60C, v0;
	v1 =	vadd.f32 v4, v1  }
0x276: {  	v6 =	vld.idx.msk [tilespmem:v54+s16+$0x0], $0xffff  }
0x277: {  	v1 =	vadd.f32 v2, v1;
	v2 =	vor.u32 $0x60D, v0  }
0x278: {  	v3 =	vld.idx.msk [tilespmem:v3+s16+$0x0], $0xffff  }
0x279: {  	v56 =	vor.u32 $0x60E, v0;
	v1 =	vadd.f32 v5, v1  }
0x27a: {  	v4 =	vld.idx.msk [tilespmem:v55+s16+$0x0], $0xffff  }
0x27b: {  	v57 =	vor.u32 $0x60F, v0;
	v1 =	vadd.f32 v6, v1  }
0x27c: {  	v2 =	vld.idx.msk [tilespmem:v2+s16+$0x0], $0xffff  }
0x27d: {  	v1 =	vadd.f32 v3, v1  }
0x27e: {  	v3 =	vld.idx.msk [tilespmem:v56+s16+$0x0], $0xffff  }
0x27f: {  	v1 =	vadd.f32 v4, v1  }
0x280: {  	v58 =	vld.idx.msk [tilespmem:v57+s16+$0x0], $0xffff  }
0x281: {  	v1 =	vadd.f32 v2, v1;
	_ =	sdelay $0x1  }
0x282: {  	v2 =	vor.u32 $0x700, v0;
	v1 =	vadd.f32 v3, v1  }
0x283: {  	v3 =	vor.u32 $0x701, v0  }
0x284: {  	v1 =	vadd.f32 v58, v1  }
0x285: {  	v59 =	vor.u32 $0x702, v0  }
0x286: {  	[tilespmem:$0x1DF60] =	vst v1  }
0x287: {  	v1 =	vld.idx.msk [tilespmem:v2+s16+$0x0], $0xffff;
	v2 =	vor.u32 $0x703, v0  }
0x288: {  	v3 =	vld.idx.msk [tilespmem:v3+s16+$0x0], $0xffff  }
0x289: {  	v60 =	vor.u32 $0x704, v0  }
0x28a: {  	v4 =	vld.idx.msk [tilespmem:v59+s16+$0x0], $0xffff  }
0x28b: {  	v61 =	vor.u32 $0x705, v0  }
0x28c: {  	v2 =	vld.idx.msk [tilespmem:v2+s16+$0x0], $0xffff  }
0x28d: {  	v1 =	vadd.f32 v3, v1;
	v3 =	vor.u32 $0x706, v0  }
0x28e: {  	v5 =	vld.idx.msk [tilespmem:v60+s16+$0x0], $0xffff  }
0x28f: {  	v62 =	vor.u32 $0x707, v0;
	v1 =	vadd.f32 v4, v1  }
0x290: {  	v6 =	vld.idx.msk [tilespmem:v61+s16+$0x0], $0xffff  }
0x291: {  	v1 =	vadd.f32 v2, v1;
	v2 =	vor.u32 $0x708, v0  }
0x292: {  	v3 =	vld.idx.msk [tilespmem:v3+s16+$0x0], $0xffff  }
0x293: {  	v63 =	vor.u32 $0x709, v0;
	v1 =	vadd.f32 v5, v1  }
0x294: {  	v4 =	vld.idx.msk [tilespmem:v62+s16+$0x0], $0xffff  }
0x295: {  	v9 =	vor.u32 $0x70A, v0;
	v1 =	vadd.f32 v6, v1  }
0x296: {  	v2 =	vld.idx.msk [tilespmem:v2+s16+$0x0], $0xffff  }
0x297: {  	v1 =	vadd.f32 v3, v1;
	v3 =	vor.u32 $0x70B, v0  }
0x298: {  	v5 =	vld.idx.msk [tilespmem:v63+s16+$0x0], $0xffff  }
0x299: {  	v10 =	vor.u32 $0x70C, v0;
	v1 =	vadd.f32 v4, v1  }
0x29a: {  	v6 =	vld.idx.msk [tilespmem:v9+s16+$0x0], $0xffff  }
0x29b: {  	v1 =	vadd.f32 v2, v1;
	v2 =	vor.u32 $0x70D, v0  }
0x29c: {  	v3 =	vld.idx.msk [tilespmem:v3+s16+$0x0], $0xffff  }
0x29d: {  	v11 =	vor.u32 $0x70E, v0;
	v1 =	vadd.f32 v5, v1  }
0x29e: {  	v4 =	vld.idx.msk [tilespmem:v10+s16+$0x0], $0xffff  }
0x29f: {  	v12 =	vor.u32 $0x70F, v0;
	v1 =	vadd.f32 v6, v1  }
0x2a0: {  	v2 =	vld.idx.msk [tilespmem:v2+s16+$0x0], $0xffff  }
0x2a1: {  	v1 =	vadd.f32 v3, v1  }
0x2a2: {  	v3 =	vld.idx.msk [tilespmem:v11+s16+$0x0], $0xffff  }
0x2a3: {  	v1 =	vadd.f32 v4, v1  }
0x2a4: {  	v13 =	vld.idx.msk [tilespmem:v12+s16+$0x0], $0xffff  }
0x2a5: {  	v1 =	vadd.f32 v2, v1;
	_ =	sdelay $0x1  }
0x2a6: {  	v2 =	vor.u32 $0x800, v0;
	v1 =	vadd.f32 v3, v1  }
0x2a7: {  	v3 =	vor.u32 $0x801, v0  }
0x2a8: {  	v1 =	vadd.f32 v13, v1  }
0x2a9: {  	v14 =	vor.u32 $0x802, v0  }
0x2aa: {  	[tilespmem:$0x1DF70] =	vst v1  }
0x2ab: {  	v1 =	vld.idx.msk [tilespmem:v2+s16+$0x0], $0xffff;
	v2 =	vor.u32 $0x803, v0  }
0x2ac: {  	v3 =	vld.idx.msk [tilespmem:v3+s16+$0x0], $0xffff  }
0x2ad: {  	v15 =	vor.u32 $0x804, v0  }
0x2ae: {  	v4 =	vld.idx.msk [tilespmem:v14+s16+$0x0], $0xffff  }
0x2af: {  	v16 =	vor.u32 $0x805, v0  }
0x2b0: {  	v2 =	vld.idx.msk [tilespmem:v2+s16+$0x0], $0xffff  }
0x2b1: {  	v1 =	vadd.f32 v3, v1;
	v3 =	vor.u32 $0x806, v0  }
0x2b2: {  	v5 =	vld.idx.msk [tilespmem:v15+s16+$0x0], $0xffff  }
0x2b3: {  	v17 =	vor.u32 $0x807, v0;
	v1 =	vadd.f32 v4, v1  }
0x2b4: {  	v6 =	vld.idx.msk [tilespmem:v16+s16+$0x0], $0xffff  }
0x2b5: {  	v1 =	vadd.f32 v2, v1;
	v2 =	vor.u32 $0x808, v0  }
0x2b6: {  	v3 =	vld.idx.msk [tilespmem:v3+s16+$0x0], $0xffff  }
0x2b7: {  	v18 =	vor.u32 $0x809, v0;
	v1 =	vadd.f32 v5, v1  }
0x2b8: {  	v4 =	vld.idx.msk [tilespmem:v17+s16+$0x0], $0xffff  }
0x2b9: {  	v19 =	vor.u32 $0x80A, v0;
	v1 =	vadd.f32 v6, v1  }
0x2ba: {  	v2 =	vld.idx.msk [tilespmem:v2+s16+$0x0], $0xffff  }
0x2bb: {  	v1 =	vadd.f32 v3, v1;
	v3 =	vor.u32 $0x80B, v0  }
0x2bc: {  	v5 =	vld.idx.msk [tilespmem:v18+s16+$0x0], $0xffff  }
0x2bd: {  	v20 =	vor.u32 $0x80C, v0;
	v1 =	vadd.f32 v4, v1  }
0x2be: {  	v6 =	vld.idx.msk [tilespmem:v19+s16+$0x0], $0xffff  }
0x2bf: {  	v1 =	vadd.f32 v2, v1;
	v2 =	vor.u32 $0x80D, v0  }
0x2c0: {  	v3 =	vld.idx.msk [tilespmem:v3+s16+$0x0], $0xffff  }
0x2c1: {  	v21 =	vor.u32 $0x80E, v0;
	v1 =	vadd.f32 v5, v1  }
0x2c2: {  	v4 =	vld.idx.msk [tilespmem:v20+s16+$0x0], $0xffff  }
0x2c3: {  	v22 =	vor.u32 $0x80F, v0;
	v1 =	vadd.f32 v6, v1  }
0x2c4: {  	v2 =	vld.idx.msk [tilespmem:v2+s16+$0x0], $0xffff  }
0x2c5: {  	v1 =	vadd.f32 v3, v1  }
0x2c6: {  	v3 =	vld.idx.msk [tilespmem:v21+s16+$0x0], $0xffff  }
0x2c7: {  	v1 =	vadd.f32 v4, v1  }
0x2c8: {  	v23 =	vld.idx.msk [tilespmem:v22+s16+$0x0], $0xffff  }
0x2c9: {  	v1 =	vadd.f32 v2, v1;
	_ =	sdelay $0x1  }
0x2ca: {  	v2 =	vor.u32 $0x900, v0;
	v1 =	vadd.f32 v3, v1  }
0x2cb: {  	v3 =	vor.u32 $0x901, v0  }
0x2cc: {  	v1 =	vadd.f32 v23, v1  }
0x2cd: {  	v24 =	vor.u32 $0x902, v0  }
0x2ce: {  	[tilespmem:$0x1DF80] =	vst v1  }
0x2cf: {  	v1 =	vld.idx.msk [tilespmem:v2+s16+$0x0], $0xffff;
	v2 =	vor.u32 $0x903, v0  }
0x2d0: {  	v3 =	vld.idx.msk [tilespmem:v3+s16+$0x0], $0xffff  }
0x2d1: {  	v25 =	vor.u32 $0x904, v0  }
0x2d2: {  	v4 =	vld.idx.msk [tilespmem:v24+s16+$0x0], $0xffff  }
0x2d3: {  	v26 =	vor.u32 $0x905, v0  }
0x2d4: {  	v2 =	vld.idx.msk [tilespmem:v2+s16+$0x0], $0xffff  }
0x2d5: {  	v1 =	vadd.f32 v3, v1;
	v3 =	vor.u32 $0x906, v0  }
0x2d6: {  	v5 =	vld.idx.msk [tilespmem:v25+s16+$0x0], $0xffff  }
0x2d7: {  	v27 =	vor.u32 $0x907, v0;
	v1 =	vadd.f32 v4, v1  }
0x2d8: {  	v6 =	vld.idx.msk [tilespmem:v26+s16+$0x0], $0xffff  }
0x2d9: {  	v1 =	vadd.f32 v2, v1;
	v2 =	vor.u32 $0x908, v0  }
0x2da: {  	v3 =	vld.idx.msk [tilespmem:v3+s16+$0x0], $0xffff  }
0x2db: {  	v28 =	vor.u32 $0x909, v0;
	v1 =	vadd.f32 v5, v1  }
0x2dc: {  	v4 =	vld.idx.msk [tilespmem:v27+s16+$0x0], $0xffff  }
0x2dd: {  	v29 =	vor.u32 $0x90A, v0;
	v1 =	vadd.f32 v6, v1  }
0x2de: {  	v2 =	vld.idx.msk [tilespmem:v2+s16+$0x0], $0xffff  }
0x2df: {  	v1 =	vadd.f32 v3, v1;
	v3 =	vor.u32 $0x90B, v0  }
0x2e0: {  	v5 =	vld.idx.msk [tilespmem:v28+s16+$0x0], $0xffff  }
0x2e1: {  	v30 =	vor.u32 $0x90C, v0;
	v1 =	vadd.f32 v4, v1  }
0x2e2: {  	v6 =	vld.idx.msk [tilespmem:v29+s16+$0x0], $0xffff  }
0x2e3: {  	v1 =	vadd.f32 v2, v1;
	v2 =	vor.u32 $0x90D, v0  }
0x2e4: {  	v3 =	vld.idx.msk [tilespmem:v3+s16+$0x0], $0xffff  }
0x2e5: {  	v31 =	vor.u32 $0x90E, v0;
	v1 =	vadd.f32 v5, v1  }
0x2e6: {  	v4 =	vld.idx.msk [tilespmem:v30+s16+$0x0], $0xffff  }
0x2e7: {  	v32 =	vor.u32 $0x90F, v0;
	v1 =	vadd.f32 v6, v1  }
0x2e8: {  	v2 =	vld.idx.msk [tilespmem:v2+s16+$0x0], $0xffff  }
0x2e9: {  	v1 =	vadd.f32 v3, v1  }
0x2ea: {  	v3 =	vld.idx.msk [tilespmem:v31+s16+$0x0], $0xffff  }
0x2eb: {  	v1 =	vadd.f32 v4, v1  }
0x2ec: {  	v33 =	vld.idx.msk [tilespmem:v32+s16+$0x0], $0xffff  }
0x2ed: {  	v1 =	vadd.f32 v2, v1;
	_ =	sdelay $0x1  }
0x2ee: {  	v2 =	vor.u32 $0xA00, v0;
	v1 =	vadd.f32 v3, v1  }
0x2ef: {  	v3 =	vor.u32 $0xA01, v0  }
0x2f0: {  	v1 =	vadd.f32 v33, v1  }
0x2f1: {  	v34 =	vor.u32 $0xA02, v0  }
0x2f2: {  	[tilespmem:$0x1DF90] =	vst v1  }
0x2f3: {  	v1 =	vld.idx.msk [tilespmem:v2+s16+$0x0], $0xffff;
	v2 =	vor.u32 $0xA03, v0  }
0x2f4: {  	v3 =	vld.idx.msk [tilespmem:v3+s16+$0x0], $0xffff  }
0x2f5: {  	v35 =	vor.u32 $0xA04, v0  }
0x2f6: {  	v4 =	vld.idx.msk [tilespmem:v34+s16+$0x0], $0xffff  }
0x2f7: {  	v36 =	vor.u32 $0xA05, v0  }
0x2f8: {  	v2 =	vld.idx.msk [tilespmem:v2+s16+$0x0], $0xffff  }
0x2f9: {  	v1 =	vadd.f32 v3, v1;
	v3 =	vor.u32 $0xA06, v0  }
0x2fa: {  	v5 =	vld.idx.msk [tilespmem:v35+s16+$0x0], $0xffff  }
0x2fb: {  	v37 =	vor.u32 $0xA07, v0;
	v1 =	vadd.f32 v4, v1  }
0x2fc: {  	v6 =	vld.idx.msk [tilespmem:v36+s16+$0x0], $0xffff  }
0x2fd: {  	v1 =	vadd.f32 v2, v1;
	v2 =	vor.u32 $0xA08, v0  }
0x2fe: {  	v3 =	vld.idx.msk [tilespmem:v3+s16+$0x0], $0xffff  }
0x2ff: {  	v38 =	vor.u32 $0xA09, v0;
	v1 =	vadd.f32 v5, v1  }
0x300: {  	v4 =	vld.idx.msk [tilespmem:v37+s16+$0x0], $0xffff  }
0x301: {  	v39 =	vor.u32 $0xA0A, v0;
	v1 =	vadd.f32 v6, v1  }
0x302: {  	v2 =	vld.idx.msk [tilespmem:v2+s16+$0x0], $0xffff  }
0x303: {  	v1 =	vadd.f32 v3, v1;
	v3 =	vor.u32 $0xA0B, v0  }
0x304: {  	v5 =	vld.idx.msk [tilespmem:v38+s16+$0x0], $0xffff  }
0x305: {  	v40 =	vor.u32 $0xA0C, v0;
	v1 =	vadd.f32 v4, v1  }
0x306: {  	v6 =	vld.idx.msk [tilespmem:v39+s16+$0x0], $0xffff  }
0x307: {  	v1 =	vadd.f32 v2, v1;
	v2 =	vor.u32 $0xA0D, v0  }
0x308: {  	v3 =	vld.idx.msk [tilespmem:v3+s16+$0x0], $0xffff  }
0x309: {  	v41 =	vor.u32 $0xA0E, v0;
	v1 =	vadd.f32 v5, v1  }
0x30a: {  	v4 =	vld.idx.msk [tilespmem:v40+s16+$0x0], $0xffff  }
0x30b: {  	v42 =	vor.u32 $0xA0F, v0;
	v1 =	vadd.f32 v6, v1  }
0x30c: {  	v2 =	vld.idx.msk [tilespmem:v2+s16+$0x0], $0xffff  }
0x30d: {  	v1 =	vadd.f32 v3, v1  }
0x30e: {  	v3 =	vld.idx.msk [tilespmem:v41+s16+$0x0], $0xffff  }
0x30f: {  	v1 =	vadd.f32 v4, v1  }
0x310: {  	v43 =	vld.idx.msk [tilespmem:v42+s16+$0x0], $0xffff  }
0x311: {  	v1 =	vadd.f32 v2, v1;
	_ =	sdelay $0x1  }
0x312: {  	v2 =	vor.u32 $0xB00, v0;
	v1 =	vadd.f32 v3, v1  }
0x313: {  	v3 =	vor.u32 $0xB01, v0  }
0x314: {  	v1 =	vadd.f32 v43, v1  }
0x315: {  	v44 =	vor.u32 $0xB02, v0  }
0x316: {  	[tilespmem:$0x1DFA0] =	vst v1  }
0x317: {  	v1 =	vld.idx.msk [tilespmem:v2+s16+$0x0], $0xffff;
	v2 =	vor.u32 $0xB03, v0  }
0x318: {  	v3 =	vld.idx.msk [tilespmem:v3+s16+$0x0], $0xffff  }
0x319: {  	v45 =	vor.u32 $0xB04, v0  }
0x31a: {  	v4 =	vld.idx.msk [tilespmem:v44+s16+$0x0], $0xffff  }
0x31b: {  	v46 =	vor.u32 $0xB05, v0  }
0x31c: {  	v2 =	vld.idx.msk [tilespmem:v2+s16+$0x0], $0xffff  }
0x31d: {  	v1 =	vadd.f32 v3, v1;
	v3 =	vor.u32 $0xB06, v0  }
0x31e: {  	v5 =	vld.idx.msk [tilespmem:v45+s16+$0x0], $0xffff  }
0x31f: {  	v47 =	vor.u32 $0xB07, v0;
	v1 =	vadd.f32 v4, v1  }
0x320: {  	v6 =	vld.idx.msk [tilespmem:v46+s16+$0x0], $0xffff  }
0x321: {  	v1 =	vadd.f32 v2, v1;
	v2 =	vor.u32 $0xB08, v0  }
0x322: {  	v3 =	vld.idx.msk [tilespmem:v3+s16+$0x0], $0xffff  }
0x323: {  	v48 =	vor.u32 $0xB09, v0;
	v1 =	vadd.f32 v5, v1  }
0x324: {  	v4 =	vld.idx.msk [tilespmem:v47+s16+$0x0], $0xffff  }
0x325: {  	v49 =	vor.u32 $0xB0A, v0;
	v1 =	vadd.f32 v6, v1  }
0x326: {  	v2 =	vld.idx.msk [tilespmem:v2+s16+$0x0], $0xffff  }
0x327: {  	v1 =	vadd.f32 v3, v1;
	v3 =	vor.u32 $0xB0B, v0  }
0x328: {  	v5 =	vld.idx.msk [tilespmem:v48+s16+$0x0], $0xffff  }
0x329: {  	v50 =	vor.u32 $0xB0C, v0;
	v1 =	vadd.f32 v4, v1  }
0x32a: {  	v6 =	vld.idx.msk [tilespmem:v49+s16+$0x0], $0xffff  }
0x32b: {  	v1 =	vadd.f32 v2, v1;
	v2 =	vor.u32 $0xB0D, v0  }
0x32c: {  	v3 =	vld.idx.msk [tilespmem:v3+s16+$0x0], $0xffff  }
0x32d: {  	v51 =	vor.u32 $0xB0E, v0;
	v1 =	vadd.f32 v5, v1  }
0x32e: {  	v4 =	vld.idx.msk [tilespmem:v50+s16+$0x0], $0xffff  }
0x32f: {  	v52 =	vor.u32 $0xB0F, v0;
	v1 =	vadd.f32 v6, v1  }
0x330: {  	v2 =	vld.idx.msk [tilespmem:v2+s16+$0x0], $0xffff  }
0x331: {  	v1 =	vadd.f32 v3, v1  }
0x332: {  	v3 =	vld.idx.msk [tilespmem:v51+s16+$0x0], $0xffff  }
0x333: {  	v1 =	vadd.f32 v4, v1  }
0x334: {  	v53 =	vld.idx.msk [tilespmem:v52+s16+$0x0], $0xffff  }
0x335: {  	v1 =	vadd.f32 v2, v1;
	_ =	sdelay $0x1  }
0x336: {  	v2 =	vadd.s32 $0xB80, v0;
	v1 =	vadd.f32 v3, v1  }
0x337: {  	v3 =	vadd.s32 $0xB81, v0  }
0x338: {  	v1 =	vadd.f32 v53, v1  }
0x339: {  	v54 =	vadd.s32 $0xB82, v0  }
0x33a: {  	[tilespmem:$0x1DFB0] =	vst v1  }
0x33b: {  	v1 =	vld.idx.msk [tilespmem:v2+s16+$0x0], $0xffff;
	v2 =	vadd.s32 $0xB83, v0  }
0x33c: {  	v3 =	vld.idx.msk [tilespmem:v3+s16+$0x0], $0xffff  }
0x33d: {  	v55 =	vadd.s32 $0xB84, v0  }
0x33e: {  	v4 =	vld.idx.msk [tilespmem:v54+s16+$0x0], $0xffff  }
0x33f: {  	v56 =	vadd.s32 $0xB85, v0  }
0x340: {  	v2 =	vld.idx.msk [tilespmem:v2+s16+$0x0], $0xffff  }
0x341: {  	v1 =	vadd.f32 v3, v1;
	v3 =	vadd.s32 $0xB86, v0  }
0x342: {  	v5 =	vld.idx.msk [tilespmem:v55+s16+$0x0], $0xffff  }
0x343: {  	v57 =	vadd.s32 $0xB87, v0;
	v1 =	vadd.f32 v4, v1  }
0x344: {  	v6 =	vld.idx.msk [tilespmem:v56+s16+$0x0], $0xffff  }
0x345: {  	v1 =	vadd.f32 v2, v1;
	v2 =	vadd.s32 $0xB88, v0  }
0x346: {  	v3 =	vld.idx.msk [tilespmem:v3+s16+$0x0], $0xffff  }
0x347: {  	v58 =	vadd.s32 $0xB89, v0;
	v1 =	vadd.f32 v5, v1  }
0x348: {  	v4 =	vld.idx.msk [tilespmem:v57+s16+$0x0], $0xffff  }
0x349: {  	v59 =	vadd.s32 $0xB8A, v0;
	v1 =	vadd.f32 v6, v1  }
0x34a: {  	v2 =	vld.idx.msk [tilespmem:v2+s16+$0x0], $0xffff  }
0x34b: {  	v1 =	vadd.f32 v3, v1;
	v3 =	vadd.s32 $0xB8B, v0  }
0x34c: {  	v5 =	vld.idx.msk [tilespmem:v58+s16+$0x0], $0xffff  }
0x34d: {  	v60 =	vadd.s32 $0xB8C, v0;
	v1 =	vadd.f32 v4, v1  }
0x34e: {  	v6 =	vld.idx.msk [tilespmem:v59+s16+$0x0], $0xffff  }
0x34f: {  	v1 =	vadd.f32 v2, v1;
	v2 =	vadd.s32 $0xB8D, v0  }
0x350: {  	v3 =	vld.idx.msk [tilespmem:v3+s16+$0x0], $0xffff  }
0x351: {  	v61 =	vadd.s32 $0xB8E, v0;
	v1 =	vadd.f32 v5, v1  }
0x352: {  	v4 =	vld.idx.msk [tilespmem:v60+s16+$0x0], $0xffff  }
0x353: {  	v62 =	vadd.s32 $0xB8F, v0;
	v1 =	vadd.f32 v6, v1  }
0x354: {  	v2 =	vld.idx.msk [tilespmem:v2+s16+$0x0], $0xffff  }
0x355: {  	v1 =	vadd.f32 v3, v1  }
0x356: {  	v3 =	vld.idx.msk [tilespmem:v61+s16+$0x0], $0xffff  }
0x357: {  	v1 =	vadd.f32 v4, v1  }
0x358: {  	v63 =	vld.idx.msk [tilespmem:v62+s16+$0x0], $0xffff  }
0x359: {  	v1 =	vadd.f32 v2, v1;
	_ =	sdelay $0x1  }
0x35a: {  	s31 =	smul.u32 $0xC8, s21;
	v1 =	vadd.f32 v3, v1  }
0x35b: {  	p0 =	sne.s32 s22, $0x32  }
.Ltmp1:
0x35c: {  	s21 =	sadd.s32 s5, s31;
	v1 =	vadd.f32 v63, v1;
	(pc) =	sbr.rel @p0 .LBB2_2-.Ltmp1, $4  }
0x35d: {  	s21 =	sshrl.u32 s21, $0x3  }
0x35e: {  	s21 =	sadd.s32 s4, s21;
	[tilespmem:$0x1DFB8] =	vst v1  }
0x35f: {  	[hbm4b:s21+s6] =	stream.linear.scatter [tilespmem:s17], [sflag:$0x3], $0xC8, $0x38;
	[tilespmem:$0x1EC80] =	vst v63  }
0x360: {  	s20 =	sxor.u32 $0x1, s20;
	s21 =	smov.u32 s22  }
0x361: {  	s19 =	sadd.s32 $0x1, s19  }
0x362: {  	p0 =	sne.s32 s19, s9  }
.Ltmp2:
0x363: {  	_ = 	snop;
	(pc) =	sbr.rel @p0 .LBB2_1-.Ltmp2, $4  }
0x364: {  	_ = 	snop  }
0x365: {  	_ =	swait.ge [sflag:s18], $0xC8  }
0x366: {  	[sflag:s18] =	ssyncset.done $0x0  }
0x367: {  	[sflag:s18] =	ssyncadd.s32 $0xFFFFFF38  }
0x368: {  	_ =	sfence.sel $0x180000  }
0x369: {  	[bflag:$0x0] =	sbarrier.arrive $0xFFFF  }
0x36a: {  	p0 =	sne.s32 s2, $0x0;
	_ =	strace $0x90000047  }
0x36b: {  	s0 =	sadd.s32 @!p0 $0x100000, s3;
	[bflag:$0x2] =	sbarrier.arrive $0xFFFF  }
0x36c: {  	[sflag:s0] =	ssyncadd.tile.s32 @!p0 $0x1;
	_ =	shalt  }
.Lfunc_end2:
_tile_overlayer_lowered:
.L_overlay_start_2:
0x36d: {  	(tag) =	ssettag $0x2  }
0x36e: {  	s0 =	rddreg [dreg:$0x0];
	s2 =	stileid.u32  }
0x36f: {  	s1 =	rddreg [dreg:$0x1];
	p0 =	sne.s32 s2, $0x0  }
0x370: {  	s3 =	rddreg [dreg:$0x2];
	[bflag:$0x3] =	sbarrier.arrive $0xFFFF;
	s2 =	simm.s32 @!p0 $0x1C04  }
0x371: {  	[timem:s3], [sflag:s2] =	dma.local @!p0 [hbm:s0], s1  }
0x372: {  	s0 =	simm.s32 @!p0 $0x4  }
0x373: {  	_ =	swait.ge @!p0 [sflag:s0], s1  }
0x374: {  	s1 =	ssub.s32 @!p0 $0x0, s1;
	[sflag:s0] =	ssyncset.done @!p0 $0x0  }
0x375: {  	[sflag:s0] =	ssyncadd.s32 @!p0 s1  }
0x376: {  	[bflag:$0x3] =	sbarrier.arrive $0xFFFF  }
0x377: {  	_ =	shalt  }

</sc_bundles>
